<compile_context>
chip_gen: v7x
topology: tpu7x:2x2x1
jax: 0.10.2.dev20260603
libtpu: 0.0.44.dev20260713+nightly
codegen_flags: <defaults>
</compile_context>

<pallas_src>
import functools

import jax
import jax.numpy as jnp
import numpy as np
from jax import lax
from jax.experimental import pallas as pl
from jax.experimental.pallas import tpu as pltpu
from jax.experimental.pallas import tpu_sc as plsc

N_NEG = 10

_NC = 2
_NS = 16
_NW = _NC * _NS
_CHUNK = 64
_NBUF = 6



def _tf2x32(k1, k2, x1, x2):
    rot_a = (13, 15, 26, 6)
    rot_b = (17, 29, 16, 24)

    def rotl(x, d):
        return ((x << np.uint32(d)) | (x >> np.uint32(32 - d))).astype(np.uint32)

    ks0 = np.uint32(k1)
    ks1 = np.uint32(k2)
    ks2 = np.uint32(ks0 ^ ks1 ^ np.uint32(0x1BD11BDA))
    x = [(x1 + ks0).astype(np.uint32), (x2 + ks1).astype(np.uint32)]

    def rounds(x, rots):
        for r in rots:
            x[0] = (x[0] + x[1]).astype(np.uint32)
            x[1] = (x[0] ^ rotl(x[1], r)).astype(np.uint32)
        return x

    ks = (ks0, ks1, ks2)
    for i, rots in enumerate((rot_a, rot_b, rot_a, rot_b, rot_a)):
        x = rounds(x, rots)
        x[0] = (x[0] + ks[(i + 1) % 3]).astype(np.uint32)
        x[1] = (x[1] + ks[(i + 2) % 3] + np.uint32(i + 1)).astype(np.uint32)
    return x[0], x[1]


def _iota2x32(shape):
    n = int(np.prod(shape))
    c = np.arange(n, dtype=np.uint64)
    return (
        (c >> np.uint64(32)).astype(np.uint32).reshape(shape),
        (c & np.uint64(0xFFFFFFFF)).astype(np.uint32).reshape(shape),
    )


def _np_randint(key, shape, minval, maxval):
    c1, c2 = _iota2x32((2,))
    b1, b2 = _tf2x32(key[0], key[1], c1, c2)
    subkeys = np.stack([b1, b2], axis=1)

    def random_bits(k):
        h1, h2 = _iota2x32(shape)
        r1, r2 = _tf2x32(k[0], k[1], h1, h2)
        return (r1 ^ r2).astype(np.uint32)

    hi, lo = random_bits(subkeys[0]), random_bits(subkeys[1])
    span = np.uint32(maxval - minval)
    mult = np.uint32((((2 ** 16) % int(span)) ** 2) % int(span))
    off = ((hi % span) * mult + (lo % span)).astype(np.uint32) % span
    return np.int32(minval) + off.astype(np.int32)


@functools.lru_cache(maxsize=None)
def _make_indices(B, T, N):
    key = np.array([0, 42], dtype=np.uint32)
    raw = _np_randint(key, (B, N * T), 0, T - 1)
    tszs = np.repeat(np.arange(T, dtype=np.int32), N)
    loc = np.where(raw >= tszs[None, :], raw + 1, raw)
    g = loc + 1
    g = np.where(g >= T, g - T, g)
    neg_idx = g + np.arange(B, dtype=np.int32)[:, None] * T
    neg_idx = np.ascontiguousarray(
        neg_idx.reshape(B, T, N).transpose(2, 0, 1)
    ).reshape(-1).astype(np.int32)
    return neg_idx



@functools.lru_cache(maxsize=None)
def _make_gather(n_rows, C):
    per_tile = n_rows // _NW
    n_chunks = per_tile // _CHUNK
    n_groups, n_tail = divmod(n_chunks, _NBUF)

    mesh = plsc.VectorSubcoreMesh(core_axis_name="c", subcore_axis_name="s")

    @functools.partial(
        pl.kernel,
        mesh=mesh,
        out_type=jax.ShapeDtypeStruct((n_rows, C), jnp.float32),
        scratch_types=[
            pltpu.VMEM((n_chunks, _CHUNK), jnp.int32),
            pltpu.VMEM((_NBUF, _CHUNK, C), jnp.float32),
        ]
        + [pltpu.SemaphoreType.DMA] * (2 * _NBUF),
    )
    def gather_k(table_hbm, idx_hbm, out_hbm, idx_v, rows_v, *sems):
        sem_g = sems[:_NBUF]
        sem_s = sems[_NBUF:]
        wid = lax.axis_index("s") * _NC + lax.axis_index("c")
        out_base = wid * per_tile
        pltpu.sync_copy(idx_hbm.at[wid], idx_v)

        def start_gather(c, j):
            return pltpu.async_copy(
                table_hbm.at[idx_v.at[c]],
                rows_v.at[j],
                sem_g[j],
            )

        def start_scatter(c, j):
            return pltpu.async_copy(
                rows_v.at[j],
                out_hbm.at[pl.ds(out_base + c * _CHUNK, _CHUNK)],
                sem_s[j],
            )

        def drain_scatter(j):
            pltpu.make_async_copy(
                rows_v.at[j], out_hbm.at[pl.ds(0, _CHUNK)], sem_s[j]
            ).wait()

        def wait_gather(j):
            pltpu.make_async_copy(
                table_hbm.at[pl.ds(0, _CHUNK)], rows_v.at[j], sem_g[j]
            ).wait()

        def body(g, carry):
            c0 = g * _NBUF
            for j in range(_NBUF):
                @pl.when(g > 0)
                def _(j=j):
                    drain_scatter(j)
                start_gather(c0 + j, j)
            for j in range(_NBUF):
                wait_gather(j)
                start_scatter(c0 + j, j)
            return carry

        lax.fori_loop(0, n_groups, body, 0)
        for j in range(n_tail):
            drain_scatter(j)
            start_gather(n_groups * _NBUF + j, j)
        for j in range(n_tail):
            wait_gather(j)
            start_scatter(n_groups * _NBUF + j, j)
        for j in range(_NBUF):
            drain_scatter(j)

    return gather_k



@functools.lru_cache(maxsize=None)
def _make_roll(B, T, C):
    def roll_k(x_ref, out_ref, xcopy_ref):
        out_ref[0, : T - 1] = x_ref[0, 1:]
        out_ref[0, T - 1 :] = x_ref[0, :1]
        xcopy_ref[0] = x_ref[0]

    return pl.pallas_call(
        roll_k,
        grid=(B,),
        in_specs=[pl.BlockSpec((1, T, C), lambda b: (b, 0, 0))],
        out_specs=[
            pl.BlockSpec((1, T, C), lambda b: (b, 0, 0)),
            pl.BlockSpec((1, T, C), lambda b: (b, 0, 0)),
        ],
        out_shape=[
            jax.ShapeDtypeStruct((B, T, C), jnp.float32),
            jax.ShapeDtypeStruct((B, T, C), jnp.float32),
        ],
    )


def kernel(x):
    B, T, C = x.shape
    N = N_NEG
    neg_idx = _make_indices(B, T, N)
    n_rows = N * B * T
    neg_idx3 = neg_idx.reshape(_NW, n_rows // (_NW * _CHUNK), _CHUNK)
    table = x.reshape(B * T, C)
    neg_out = _make_gather(n_rows, C)(table, jnp.asarray(neg_idx3))
    targets, x_out = _make_roll(B, T, C)(x)
    return (x_out, targets, neg_out.reshape(N, B, T, C))

# --- scband reference (transcript-rebuilt; emitter-appended) ---
"""Pipeline reference for scband-negative-sampler-58025008169214 (READ-ONLY COPY).

The authoritative reference and input builder live on the scoring server;
editing this copy changes nothing except your own understanding.
"""

import jax, jax.numpy as jnp
import numpy as np

N_NEGATIVES = 10


def sample_negatives(y, n_negatives):
    # fairseq/wav2vec-style within-utterance negative sampling
    B, T, C = y.shape
    key = jax.random.key(42)
    # sample uniform indices in [0, T-1), then shift >= self index to avoid
    # sampling the positive target itself
    neg_idxs = jax.random.randint(key, (B, n_negatives * T), 0, T - 1)
    tszs = jnp.repeat(jnp.arange(T), n_negatives)  # (n_negatives*T,)
    neg_idxs = jnp.where(neg_idxs >= tszs[None, :], neg_idxs + 1, neg_idxs)
    # add per-batch row offsets so we can gather from the flattened tensor
    neg_idxs = neg_idxs + (jnp.arange(B)[:, None] * T)
    y_flat = y.reshape(-1, C)
    negs = jnp.take(y_flat, neg_idxs.reshape(-1), axis=0)
    negs = negs.reshape(B, T, n_negatives, C).transpose(2, 0, 1, 3)  # (n_negatives, B, T, C)
    return negs, neg_idxs


def setup_inputs(seed: int = 0) -> dict:
    key = jax.random.key(seed)
    x = jax.random.normal(key, (8, 2048, 256), dtype=jnp.float32)
    return {"x": x}


def reference(x):
    # transpose=False path
    targets = jnp.roll(x, -1, axis=1)
    negatives, negs_ids = sample_negatives(targets, N_NEGATIVES)
    return (x, targets, negatives)

if __name__ == "__main__":
    import jax
    _d = setup_inputs()
    print(jax.jit(kernel)(*tuple(_d.values())))

</pallas_src>

<mosaic_0001>
#map = affine_map<(d0, d1) -> (0, 0)>
#map1 = affine_map<(d0, d1) -> (0, 0, 0)>
module attributes {stable_mosaic.version = 14 : i64} {
  func.func @gather_k(%arg0: i32, %arg1: i32, %arg2: memref<16384x256xf32, #tpu.memory_space<hbm>>, %arg3: memref<32x80x64xi32, #tpu.memory_space<hbm>>, %arg4: memref<163840x256xf32, #tpu.memory_space<hbm>>, %arg5: memref<80x64xi32, #tpu.memory_space<vmem>>, %arg6: memref<6x64x256xf32, #tpu.memory_space<vmem>>, %arg7: memref<!tpu.dma_semaphore, #tpu.memory_space<semaphore_mem>>, %arg8: memref<!tpu.dma_semaphore, #tpu.memory_space<semaphore_mem>>, %arg9: memref<!tpu.dma_semaphore, #tpu.memory_space<semaphore_mem>>, %arg10: memref<!tpu.dma_semaphore, #tpu.memory_space<semaphore_mem>>, %arg11: memref<!tpu.dma_semaphore, #tpu.memory_space<semaphore_mem>>, %arg12: memref<!tpu.dma_semaphore, #tpu.memory_space<semaphore_mem>>, %arg13: memref<!tpu.dma_semaphore, #tpu.memory_space<semaphore_mem>>, %arg14: memref<!tpu.dma_semaphore, #tpu.memory_space<semaphore_mem>>, %arg15: memref<!tpu.dma_semaphore, #tpu.memory_space<semaphore_mem>>, %arg16: memref<!tpu.dma_semaphore, #tpu.memory_space<semaphore_mem>>, %arg17: memref<!tpu.dma_semaphore, #tpu.memory_space<semaphore_mem>>, %arg18: memref<!tpu.dma_semaphore, #tpu.memory_space<semaphore_mem>>) attributes {dimension_semantics = [#tpu.dimension_semantics<core_parallel>, #tpu.dimension_semantics<subcore_parallel>], iteration_bounds = array<i64: 2, 16>, scalar_prefetch = 0 : i64, scratch_operands = 14 : i64, tpu.core_type = #tpu.core_type<sc_vector_subcore>, window_params = [{transform_indices = #map}, {transform_indices = #map1}, {transform_indices = #map}]} {
    %mul3A = arith.constant 2 : i32
    %mul3A_0 = arith.muli %arg1, %mul3A : i32
    %add3A = arith.addi %mul3A_0, %arg0 : i32
    %mul3A_1 = arith.constant 5120 : i32
    %mul3A_2 = arith.muli %add3A, %mul3A_1 : i32
    "tpu.region"() ({
      %run_scoped3A = tpu.sem_alloc : memref<!tpu.dma_semaphore, #tpu.memory_space<semaphore_mem>>
      %dma_start3A_210 = arith.constant 0 : i32
      %dma_start3A_211 = arith.constant 0 : i32
      %dma_start3A_212 = tpu.memref_slice %arg3[%add3A, %dma_start3A_210, %dma_start3A_211] : memref<32x80x64xi32, #tpu.memory_space<hbm>> -> memref<1x80x64xi32, #tpu.memory_space<hbm>>
      %dma_start3A_213 = tpu.memref_squeeze %dma_start3A_212 : memref<1x80x64xi32, #tpu.memory_space<hbm>> -> memref<80x64xi32, #tpu.memory_space<hbm>>
      %dma_start3A_214 = arith.constant 0 : i32
      %dma_start3A_215 = arith.constant 0 : i32
      %dma_start3A_216 = tpu.memref_slice %arg3[%add3A, %dma_start3A_214, %dma_start3A_215] : memref<32x80x64xi32, #tpu.memory_space<hbm>> -> memref<1x80x64xi32, #tpu.memory_space<hbm>>
      %dma_start3A_217 = tpu.memref_squeeze %dma_start3A_216 : memref<1x80x64xi32, #tpu.memory_space<hbm>> -> memref<80x64xi32, #tpu.memory_space<hbm>>
      tpu.enqueue_dma source(%dma_start3A_217 : memref<80x64xi32, #tpu.memory_space<hbm>>) target(%arg5 : memref<80x64xi32, #tpu.memory_space<vmem>>) target_semaphore(%run_scoped3A : memref<!tpu.dma_semaphore, #tpu.memory_space<semaphore_mem>>)
      %dma_wait3A_218 = arith.constant 0 : i32
      %dma_wait3A_219 = arith.constant 0 : i32
      %dma_wait3A_220 = tpu.memref_slice %arg3[%add3A, %dma_wait3A_218, %dma_wait3A_219] : memref<32x80x64xi32, #tpu.memory_space<hbm>> -> memref<1x80x64xi32, #tpu.memory_space<hbm>>
      %dma_wait3A_221 = tpu.memref_squeeze %dma_wait3A_220 : memref<1x80x64xi32, #tpu.memory_space<hbm>> -> memref<80x64xi32, #tpu.memory_space<hbm>>
      %dma_wait3A_222 = arith.constant 0 : i32
      %dma_wait3A_223 = arith.constant 0 : i32
      %dma_wait3A_224 = tpu.memref_slice %arg3[%add3A, %dma_wait3A_222, %dma_wait3A_223] : memref<32x80x64xi32, #tpu.memory_space<hbm>> -> memref<1x80x64xi32, #tpu.memory_space<hbm>>
      %dma_wait3A_225 = tpu.memref_squeeze %dma_wait3A_224 : memref<1x80x64xi32, #tpu.memory_space<hbm>> -> memref<80x64xi32, #tpu.memory_space<hbm>>
      tpu.wait_dma2 semaphore(%run_scoped3A : memref<!tpu.dma_semaphore, #tpu.memory_space<semaphore_mem>>) src(%dma_wait3A_225 : memref<80x64xi32, #tpu.memory_space<hbm>>) dst(%arg5 : memref<80x64xi32, #tpu.memory_space<vmem>>)
      tpu.yield
    }) : () -> ()
    %scan3A = arith.constant 0 : i32
    %scan3A_3 = arith.constant 0 : i32
    %scan3A_4 = arith.constant 13 : i32
    %scan3A_5 = arith.addi %scan3A_3, %scan3A_4 : i32
    %scan3A_6 = arith.constant 1 : i32
    scf.for %scan3A_210 = %scan3A_3 to %scan3A_5 step %scan3A_6  : i32 {
      %mul3A_211 = arith.constant 6 : i32
      %mul3A_212 = arith.muli %scan3A_210, %mul3A_211 : i32
      %gt3A = arith.constant 0 : i32
      %gt3A_213 = arith.cmpi sgt, %scan3A_210, %gt3A : i32
      %convert_element_type3A = arith.extui %gt3A_213 : i1 to i32
      %cond3A = arith.constant 0 : i32
      %cond3A_214 = arith.cmpi ne, %convert_element_type3A, %cond3A : i32
      scf.if %cond3A_214 {
        %dma_wait3A_516 = arith.constant 0 : i32
        %dma_wait3A_517 = arith.constant 0 : i32
        %dma_wait3A_518 = arith.constant 0 : i32
        %dma_wait3A_519 = tpu.memref_slice %arg6[%dma_wait3A_516, %dma_wait3A_517, %dma_wait3A_518] : memref<6x64x256xf32, #tpu.memory_space<vmem>> -> memref<1x64x256xf32, #tpu.memory_space<vmem>>
        %dma_wait3A_520 = tpu.memref_squeeze %dma_wait3A_519 : memref<1x64x256xf32, #tpu.memory_space<vmem>> -> memref<64x256xf32, #tpu.memory_space<vmem>>
        %dma_wait3A_521 = arith.constant 0 : i32
        %dma_wait3A_522 = arith.constant 0 : i32
        %dma_wait3A_523 = tpu.memref_slice %arg4[%dma_wait3A_521, %dma_wait3A_522] : memref<163840x256xf32, #tpu.memory_space<hbm>> -> memref<64x256xf32, #tpu.memory_space<hbm>>
        %dma_wait3A_524 = arith.constant 0 : i32
        %dma_wait3A_525 = arith.constant 0 : i32
        %dma_wait3A_526 = tpu.memref_slice %arg4[%dma_wait3A_524, %dma_wait3A_525] : memref<163840x256xf32, #tpu.memory_space<hbm>> -> memref<64x256xf32, #tpu.memory_space<hbm>>
        %dma_wait3A_527 = arith.constant 0 : i32
        %dma_wait3A_528 = arith.constant 0 : i32
        %dma_wait3A_529 = tpu.memref_slice %arg6[%dma_wait3A_516, %dma_wait3A_527, %dma_wait3A_528] : memref<6x64x256xf32, #tpu.memory_space<vmem>> -> memref<1x64x256xf32, #tpu.memory_space<vmem>>
        %dma_wait3A_530 = tpu.memref_squeeze %dma_wait3A_529 : memref<1x64x256xf32, #tpu.memory_space<vmem>> -> memref<64x256xf32, #tpu.memory_space<vmem>>
        tpu.wait_dma2 semaphore(%arg13 : memref<!tpu.dma_semaphore, #tpu.memory_space<semaphore_mem>>) src(%dma_wait3A_530 : memref<64x256xf32, #tpu.memory_space<vmem>>) dst(%dma_wait3A_526 : memref<64x256xf32, #tpu.memory_space<hbm>>)
      } else {
      }
      %add3A_215 = arith.constant 0 : i32
      %add3A_216 = arith.addi %mul3A_212, %add3A_215 : i32
      %dma_start3A_217 = arith.constant 0 : i32
      %dma_start3A_218 = arith.constant 0 : i32
      %dma_start3A_219 = arith.constant 0 : i32
      %dma_start3A_220 = tpu.memref_slice %arg6[%dma_start3A_217, %dma_start3A_218, %dma_start3A_219] : memref<6x64x256xf32, #tpu.memory_space<vmem>> -> memref<1x64x256xf32, #tpu.memory_space<vmem>>
      %dma_start3A_221 = tpu.memref_squeeze %dma_start3A_220 : memref<1x64x256xf32, #tpu.memory_space<vmem>> -> memref<64x256xf32, #tpu.memory_space<vmem>>
      %dma_start3A_222 = arith.constant 0 : i32
      %dma_start3A_223 = tpu.memref_slice %arg5[%add3A_216, %dma_start3A_222] : memref<80x64xi32, #tpu.memory_space<vmem>> -> memref<1x64xi32, #tpu.memory_space<vmem>>
      %dma_start3A_224 = tpu.memref_squeeze %dma_start3A_223 : memref<1x64xi32, #tpu.memory_space<vmem>> -> memref<64xi32, #tpu.memory_space<vmem>>
      %dma_start3A_225 = arith.constant 0 : i32
      %dma_start3A_226 = arith.constant 0 : i32
      %dma_start3A_227 = tpu.memref_slice %arg2[%dma_start3A_225, %dma_start3A_226] : memref<16384x256xf32, #tpu.memory_space<hbm>> -> memref<16384x256xf32, #tpu.memory_space<hbm>>
      tpu.enqueue_indirect_dma source(%dma_start3A_227 : memref<16384x256xf32, #tpu.memory_space<hbm>>) target(%dma_start3A_221 : memref<64x256xf32, #tpu.memory_space<vmem>>) offsets(%dma_start3A_224 : memref<64xi32, #tpu.memory_space<vmem>>) semaphore(%arg7 : memref<!tpu.dma_semaphore, #tpu.memory_space<semaphore_mem>>)
      %gt3A_228 = arith.constant 0 : i32
      %gt3A_229 = arith.cmpi sgt, %scan3A_210, %gt3A_228 : i32
      %convert_element_type3A_230 = arith.extui %gt3A_229 : i1 to i32
      %cond3A_231 = arith.constant 0 : i32
      %cond3A_232 = arith.cmpi ne, %convert_element_type3A_230, %cond3A_231 : i32
      scf.if %cond3A_232 {
        %dma_wait3A_516 = arith.constant 1 : i32
        %dma_wait3A_517 = arith.constant 0 : i32
        %dma_wait3A_518 = arith.constant 0 : i32
        %dma_wait3A_519 = tpu.memref_slice %arg6[%dma_wait3A_516, %dma_wait3A_517, %dma_wait3A_518] : memref<6x64x256xf32, #tpu.memory_space<vmem>> -> memref<1x64x256xf32, #tpu.memory_space<vmem>>
        %dma_wait3A_520 = tpu.memref_squeeze %dma_wait3A_519 : memref<1x64x256xf32, #tpu.memory_space<vmem>> -> memref<64x256xf32, #tpu.memory_space<vmem>>
        %dma_wait3A_521 = arith.constant 0 : i32
        %dma_wait3A_522 = arith.constant 0 : i32
        %dma_wait3A_523 = tpu.memref_slice %arg4[%dma_wait3A_521, %dma_wait3A_522] : memref<163840x256xf32, #tpu.memory_space<hbm>> -> memref<64x256xf32, #tpu.memory_space<hbm>>
        %dma_wait3A_524 = arith.constant 0 : i32
        %dma_wait3A_525 = arith.constant 0 : i32
        %dma_wait3A_526 = tpu.memref_slice %arg4[%dma_wait3A_524, %dma_wait3A_525] : memref<163840x256xf32, #tpu.memory_space<hbm>> -> memref<64x256xf32, #tpu.memory_space<hbm>>
        %dma_wait3A_527 = arith.constant 0 : i32
        %dma_wait3A_528 = arith.constant 0 : i32
        %dma_wait3A_529 = tpu.memref_slice %arg6[%dma_wait3A_516, %dma_wait3A_527, %dma_wait3A_528] : memref<6x64x256xf32, #tpu.memory_space<vmem>> -> memref<1x64x256xf32, #tpu.memory_space<vmem>>
        %dma_wait3A_530 = tpu.memref_squeeze %dma_wait3A_529 : memref<1x64x256xf32, #tpu.memory_space<vmem>> -> memref<64x256xf32, #tpu.memory_space<vmem>>
        tpu.wait_dma2 semaphore(%arg14 : memref<!tpu.dma_semaphore, #tpu.memory_space<semaphore_mem>>) src(%dma_wait3A_530 : memref<64x256xf32, #tpu.memory_space<vmem>>) dst(%dma_wait3A_526 : memref<64x256xf32, #tpu.memory_space<hbm>>)
      } else {
      }
      %add3A_233 = arith.constant 1 : i32
      %add3A_234 = arith.addi %mul3A_212, %add3A_233 : i32
      %dma_start3A_235 = arith.constant 1 : i32
      %dma_start3A_236 = arith.constant 0 : i32
      %dma_start3A_237 = arith.constant 0 : i32
      %dma_start3A_238 = tpu.memref_slice %arg6[%dma_start3A_235, %dma_start3A_236, %dma_start3A_237] : memref<6x64x256xf32, #tpu.memory_space<vmem>> -> memref<1x64x256xf32, #tpu.memory_space<vmem>>
      %dma_start3A_239 = tpu.memref_squeeze %dma_start3A_238 : memref<1x64x256xf32, #tpu.memory_space<vmem>> -> memref<64x256xf32, #tpu.memory_space<vmem>>
      %dma_start3A_240 = arith.constant 0 : i32
      %dma_start3A_241 = tpu.memref_slice %arg5[%add3A_234, %dma_start3A_240] : memref<80x64xi32, #tpu.memory_space<vmem>> -> memref<1x64xi32, #tpu.memory_space<vmem>>
      %dma_start3A_242 = tpu.memref_squeeze %dma_start3A_241 : memref<1x64xi32, #tpu.memory_space<vmem>> -> memref<64xi32, #tpu.memory_space<vmem>>
      %dma_start3A_243 = arith.constant 0 : i32
      %dma_start3A_244 = arith.constant 0 : i32
      %dma_start3A_245 = tpu.memref_slice %arg2[%dma_start3A_243, %dma_start3A_244] : memref<16384x256xf32, #tpu.memory_space<hbm>> -> memref<16384x256xf32, #tpu.memory_space<hbm>>
      tpu.enqueue_indirect_dma source(%dma_start3A_245 : memref<16384x256xf32, #tpu.memory_space<hbm>>) target(%dma_start3A_239 : memref<64x256xf32, #tpu.memory_space<vmem>>) offsets(%dma_start3A_242 : memref<64xi32, #tpu.memory_space<vmem>>) semaphore(%arg8 : memref<!tpu.dma_semaphore, #tpu.memory_space<semaphore_mem>>)
      %gt3A_246 = arith.constant 0 : i32
      %gt3A_247 = arith.cmpi sgt, %scan3A_210, %gt3A_246 : i32
      %convert_element_type3A_248 = arith.extui %gt3A_247 : i1 to i32
      %cond3A_249 = arith.constant 0 : i32
      %cond3A_250 = arith.cmpi ne, %convert_element_type3A_248, %cond3A_249 : i32
      scf.if %cond3A_250 {
        %dma_wait3A_516 = arith.constant 2 : i32
        %dma_wait3A_517 = arith.constant 0 : i32
        %dma_wait3A_518 = arith.constant 0 : i32
        %dma_wait3A_519 = tpu.memref_slice %arg6[%dma_wait3A_516, %dma_wait3A_517, %dma_wait3A_518] : memref<6x64x256xf32, #tpu.memory_space<vmem>> -> memref<1x64x256xf32, #tpu.memory_space<vmem>>
        %dma_wait3A_520 = tpu.memref_squeeze %dma_wait3A_519 : memref<1x64x256xf32, #tpu.memory_space<vmem>> -> memref<64x256xf32, #tpu.memory_space<vmem>>
        %dma_wait3A_521 = arith.constant 0 : i32
        %dma_wait3A_522 = arith.constant 0 : i32
        %dma_wait3A_523 = tpu.memref_slice %arg4[%dma_wait3A_521, %dma_wait3A_522] : memref<163840x256xf32, #tpu.memory_space<hbm>> -> memref<64x256xf32, #tpu.memory_space<hbm>>
        %dma_wait3A_524 = arith.constant 0 : i32
        %dma_wait3A_525 = arith.constant 0 : i32
        %dma_wait3A_526 = tpu.memref_slice %arg4[%dma_wait3A_524, %dma_wait3A_525] : memref<163840x256xf32, #tpu.memory_space<hbm>> -> memref<64x256xf32, #tpu.memory_space<hbm>>
        %dma_wait3A_527 = arith.constant 0 : i32
        %dma_wait3A_528 = arith.constant 0 : i32
        %dma_wait3A_529 = tpu.memref_slice %arg6[%dma_wait3A_516, %dma_wait3A_527, %dma_wait3A_528] : memref<6x64x256xf32, #tpu.memory_space<vmem>> -> memref<1x64x256xf32, #tpu.memory_space<vmem>>
        %dma_wait3A_530 = tpu.memref_squeeze %dma_wait3A_529 : memref<1x64x256xf32, #tpu.memory_space<vmem>> -> memref<64x256xf32, #tpu.memory_space<vmem>>
        tpu.wait_dma2 semaphore(%arg15 : memref<!tpu.dma_semaphore, #tpu.memory_space<semaphore_mem>>) src(%dma_wait3A_530 : memref<64x256xf32, #tpu.memory_space<vmem>>) dst(%dma_wait3A_526 : memref<64x256xf32, #tpu.memory_space<hbm>>)
      } else {
      }
      %add3A_251 = arith.constant 2 : i32
      %add3A_252 = arith.addi %mul3A_212, %add3A_251 : i32
      %dma_start3A_253 = arith.constant 2 : i32
      %dma_start3A_254 = arith.constant 0 : i32
      %dma_start3A_255 = arith.constant 0 : i32
      %dma_start3A_256 = tpu.memref_slice %arg6[%dma_start3A_253, %dma_start3A_254, %dma_start3A_255] : memref<6x64x256xf32, #tpu.memory_space<vmem>> -> memref<1x64x256xf32, #tpu.memory_space<vmem>>
      %dma_start3A_257 = tpu.memref_squeeze %dma_start3A_256 : memref<1x64x256xf32, #tpu.memory_space<vmem>> -> memref<64x256xf32, #tpu.memory_space<vmem>>
      %dma_start3A_258 = arith.constant 0 : i32
      %dma_start3A_259 = tpu.memref_slice %arg5[%add3A_252, %dma_start3A_258] : memref<80x64xi32, #tpu.memory_space<vmem>> -> memref<1x64xi32, #tpu.memory_space<vmem>>
      %dma_start3A_260 = tpu.memref_squeeze %dma_start3A_259 : memref<1x64xi32, #tpu.memory_space<vmem>> -> memref<64xi32, #tpu.memory_space<vmem>>
      %dma_start3A_261 = arith.constant 0 : i32
      %dma_start3A_262 = arith.constant 0 : i32
      %dma_start3A_263 = tpu.memref_slice %arg2[%dma_start3A_261, %dma_start3A_262] : memref<16384x256xf32, #tpu.memory_space<hbm>> -> memref<16384x256xf32, #tpu.memory_space<hbm>>
      tpu.enqueue_indirect_dma source(%dma_start3A_263 : memref<16384x256xf32, #tpu.memory_space<hbm>>) target(%dma_start3A_257 : memref<64x256xf32, #tpu.memory_space<vmem>>) offsets(%dma_start3A_260 : memref<64xi32, #tpu.memory_space<vmem>>) semaphore(%arg9 : memref<!tpu.dma_semaphore, #tpu.memory_space<semaphore_mem>>)
      %gt3A_264 = arith.constant 0 : i32
      %gt3A_265 = arith.cmpi sgt, %scan3A_210, %gt3A_264 : i32
      %convert_element_type3A_266 = arith.extui %gt3A_265 : i1 to i32
      %cond3A_267 = arith.constant 0 : i32
      %cond3A_268 = arith.cmpi ne, %convert_element_type3A_266, %cond3A_267 : i32
      scf.if %cond3A_268 {
        %dma_wait3A_516 = arith.constant 3 : i32
        %dma_wait3A_517 = arith.constant 0 : i32
        %dma_wait3A_518 = arith.constant 0 : i32
        %dma_wait3A_519 = tpu.memref_slice %arg6[%dma_wait3A_516, %dma_wait3A_517, %dma_wait3A_518] : memref<6x64x256xf32, #tpu.memory_space<vmem>> -> memref<1x64x256xf32, #tpu.memory_space<vmem>>
        %dma_wait3A_520 = tpu.memref_squeeze %dma_wait3A_519 : memref<1x64x256xf32, #tpu.memory_space<vmem>> -> memref<64x256xf32, #tpu.memory_space<vmem>>
        %dma_wait3A_521 = arith.constant 0 : i32
        %dma_wait3A_522 = arith.constant 0 : i32
        %dma_wait3A_523 = tpu.memref_slice %arg4[%dma_wait3A_521, %dma_wait3A_522] : memref<163840x256xf32, #tpu.memory_space<hbm>> -> memref<64x256xf32, #tpu.memory_space<hbm>>
        %dma_wait3A_524 = arith.constant 0 : i32
        %dma_wait3A_525 = arith.constant 0 : i32
        %dma_wait3A_526 = tpu.memref_slice %arg4[%dma_wait3A_524, %dma_wait3A_525] : memref<163840x256xf32, #tpu.memory_space<hbm>> -> memref<64x256xf32, #tpu.memory_space<hbm>>
        %dma_wait3A_527 = arith.constant 0 : i32
        %dma_wait3A_528 = arith.constant 0 : i32
        %dma_wait3A_529 = tpu.memref_slice %arg6[%dma_wait3A_516, %dma_wait3A_527, %dma_wait3A_528] : memref<6x64x256xf32, #tpu.memory_space<vmem>> -> memref<1x64x256xf32, #tpu.memory_space<vmem>>
        %dma_wait3A_530 = tpu.memref_squeeze %dma_wait3A_529 : memref<1x64x256xf32, #tpu.memory_space<vmem>> -> memref<64x256xf32, #tpu.memory_space<vmem>>
        tpu.wait_dma2 semaphore(%arg16 : memref<!tpu.dma_semaphore, #tpu.memory_space<semaphore_mem>>) src(%dma_wait3A_530 : memref<64x256xf32, #tpu.memory_space<vmem>>) dst(%dma_wait3A_526 : memref<64x256xf32, #tpu.memory_space<hbm>>)
      } else {
      }
      %add3A_269 = arith.constant 3 : i32
      %add3A_270 = arith.addi %mul3A_212, %add3A_269 : i32
      %dma_start3A_271 = arith.constant 3 : i32
      %dma_start3A_272 = arith.constant 0 : i32
      %dma_start3A_273 = arith.constant 0 : i32
      %dma_start3A_274 = tpu.memref_slice %arg6[%dma_start3A_271, %dma_start3A_272, %dma_start3A_273] : memref<6x64x256xf32, #tpu.memory_space<vmem>> -> memref<1x64x256xf32, #tpu.memory_space<vmem>>
      %dma_start3A_275 = tpu.memref_squeeze %dma_start3A_274 : memref<1x64x256xf32, #tpu.memory_space<vmem>> -> memref<64x256xf32, #tpu.memory_space<vmem>>
      %dma_start3A_276 = arith.constant 0 : i32
      %dma_start3A_277 = tpu.memref_slice %arg5[%add3A_270, %dma_start3A_276] : memref<80x64xi32, #tpu.memory_space<vmem>> -> memref<1x64xi32, #tpu.memory_space<vmem>>
      %dma_start3A_278 = tpu.memref_squeeze %dma_start3A_277 : memref<1x64xi32, #tpu.memory_space<vmem>> -> memref<64xi32, #tpu.memory_space<vmem>>
      %dma_start3A_279 = arith.constant 0 : i32
      %dma_start3A_280 = arith.constant 0 : i32
      %dma_start3A_281 = tpu.memref_slice %arg2[%dma_start3A_279, %dma_start3A_280] : memref<16384x256xf32, #tpu.memory_space<hbm>> -> memref<16384x256xf32, #tpu.memory_space<hbm>>
      tpu.enqueue_indirect_dma source(%dma_start3A_281 : memref<16384x256xf32, #tpu.memory_space<hbm>>) target(%dma_start3A_275 : memref<64x256xf32, #tpu.memory_space<vmem>>) offsets(%dma_start3A_278 : memref<64xi32, #tpu.memory_space<vmem>>) semaphore(%arg10 : memref<!tpu.dma_semaphore, #tpu.memory_space<semaphore_mem>>)
      %gt3A_282 = arith.constant 0 : i32
      %gt3A_283 = arith.cmpi sgt, %scan3A_210, %gt3A_282 : i32
      %convert_element_type3A_284 = arith.extui %gt3A_283 : i1 to i32
      %cond3A_285 = arith.constant 0 : i32
      %cond3A_286 = arith.cmpi ne, %convert_element_type3A_284, %cond3A_285 : i32
      scf.if %cond3A_286 {
        %dma_wait3A_516 = arith.constant 4 : i32
        %dma_wait3A_517 = arith.constant 0 : i32
        %dma_wait3A_518 = arith.constant 0 : i32
        %dma_wait3A_519 = tpu.memref_slice %arg6[%dma_wait3A_516, %dma_wait3A_517, %dma_wait3A_518] : memref<6x64x256xf32, #tpu.memory_space<vmem>> -> memref<1x64x256xf32, #tpu.memory_space<vmem>>
        %dma_wait3A_520 = tpu.memref_squeeze %dma_wait3A_519 : memref<1x64x256xf32, #tpu.memory_space<vmem>> -> memref<64x256xf32, #tpu.memory_space<vmem>>
        %dma_wait3A_521 = arith.constant 0 : i32
        %dma_wait3A_522 = arith.constant 0 : i32
        %dma_wait3A_523 = tpu.memref_slice %arg4[%dma_wait3A_521, %dma_wait3A_522] : memref<163840x256xf32, #tpu.memory_space<hbm>> -> memref<64x256xf32, #tpu.memory_space<hbm>>
        %dma_wait3A_524 = arith.constant 0 : i32
        %dma_wait3A_525 = arith.constant 0 : i32
        %dma_wait3A_526 = tpu.memref_slice %arg4[%dma_wait3A_524, %dma_wait3A_525] : memref<163840x256xf32, #tpu.memory_space<hbm>> -> memref<64x256xf32, #tpu.memory_space<hbm>>
        %dma_wait3A_527 = arith.constant 0 : i32
        %dma_wait3A_528 = arith.constant 0 : i32
        %dma_wait3A_529 = tpu.memref_slice %arg6[%dma_wait3A_516, %dma_wait3A_527, %dma_wait3A_528] : memref<6x64x256xf32, #tpu.memory_space<vmem>> -> memref<1x64x256xf32, #tpu.memory_space<vmem>>
        %dma_wait3A_530 = tpu.memref_squeeze %dma_wait3A_529 : memref<1x64x256xf32, #tpu.memory_space<vmem>> -> memref<64x256xf32, #tpu.memory_space<vmem>>
        tpu.wait_dma2 semaphore(%arg17 : memref<!tpu.dma_semaphore, #tpu.memory_space<semaphore_mem>>) src(%dma_wait3A_530 : memref<64x256xf32, #tpu.memory_space<vmem>>) dst(%dma_wait3A_526 : memref<64x256xf32, #tpu.memory_space<hbm>>)
      } else {
      }
      %add3A_287 = arith.constant 4 : i32
      %add3A_288 = arith.addi %mul3A_212, %add3A_287 : i32
      %dma_start3A_289 = arith.constant 4 : i32
      %dma_start3A_290 = arith.constant 0 : i32
      %dma_start3A_291 = arith.constant 0 : i32
      %dma_start3A_292 = tpu.memref_slice %arg6[%dma_start3A_289, %dma_start3A_290, %dma_start3A_291] : memref<6x64x256xf32, #tpu.memory_space<vmem>> -> memref<1x64x256xf32, #tpu.memory_space<vmem>>
      %dma_start3A_293 = tpu.memref_squeeze %dma_start3A_292 : memref<1x64x256xf32, #tpu.memory_space<vmem>> -> memref<64x256xf32, #tpu.memory_space<vmem>>
      %dma_start3A_294 = arith.constant 0 : i32
      %dma_start3A_295 = tpu.memref_slice %arg5[%add3A_288, %dma_start3A_294] : memref<80x64xi32, #tpu.memory_space<vmem>> -> memref<1x64xi32, #tpu.memory_space<vmem>>
      %dma_start3A_296 = tpu.memref_squeeze %dma_start3A_295 : memref<1x64xi32, #tpu.memory_space<vmem>> -> memref<64xi32, #tpu.memory_space<vmem>>
      %dma_start3A_297 = arith.constant 0 : i32
      %dma_start3A_298 = arith.constant 0 : i32
      %dma_start3A_299 = tpu.memref_slice %arg2[%dma_start3A_297, %dma_start3A_298] : memref<16384x256xf32, #tpu.memory_space<hbm>> -> memref<16384x256xf32, #tpu.memory_space<hbm>>
      tpu.enqueue_indirect_dma source(%dma_start3A_299 : memref<16384x256xf32, #tpu.memory_space<hbm>>) target(%dma_start3A_293 : memref<64x256xf32, #tpu.memory_space<vmem>>) offsets(%dma_start3A_296 : memref<64xi32, #tpu.memory_space<vmem>>) semaphore(%arg11 : memref<!tpu.dma_semaphore, #tpu.memory_space<semaphore_mem>>)
      %gt3A_300 = arith.constant 0 : i32
      %gt3A_301 = arith.cmpi sgt, %scan3A_210, %gt3A_300 : i32
      %convert_element_type3A_302 = arith.extui %gt3A_301 : i1 to i32
      %cond3A_303 = arith.constant 0 : i32
      %cond3A_304 = arith.cmpi ne, %convert_element_type3A_302, %cond3A_303 : i32
      scf.if %cond3A_304 {
        %dma_wait3A_516 = arith.constant 5 : i32
        %dma_wait3A_517 = arith.constant 0 : i32
        %dma_wait3A_518 = arith.constant 0 : i32
        %dma_wait3A_519 = tpu.memref_slice %arg6[%dma_wait3A_516, %dma_wait3A_517, %dma_wait3A_518] : memref<6x64x256xf32, #tpu.memory_space<vmem>> -> memref<1x64x256xf32, #tpu.memory_space<vmem>>
        %dma_wait3A_520 = tpu.memref_squeeze %dma_wait3A_519 : memref<1x64x256xf32, #tpu.memory_space<vmem>> -> memref<64x256xf32, #tpu.memory_space<vmem>>
        %dma_wait3A_521 = arith.constant 0 : i32
        %dma_wait3A_522 = arith.constant 0 : i32
        %dma_wait3A_523 = tpu.memref_slice %arg4[%dma_wait3A_521, %dma_wait3A_522] : memref<163840x256xf32, #tpu.memory_space<hbm>> -> memref<64x256xf32, #tpu.memory_space<hbm>>
        %dma_wait3A_524 = arith.constant 0 : i32
        %dma_wait3A_525 = arith.constant 0 : i32
        %dma_wait3A_526 = tpu.memref_slice %arg4[%dma_wait3A_524, %dma_wait3A_525] : memref<163840x256xf32, #tpu.memory_space<hbm>> -> memref<64x256xf32, #tpu.memory_space<hbm>>
        %dma_wait3A_527 = arith.constant 0 : i32
        %dma_wait3A_528 = arith.constant 0 : i32
        %dma_wait3A_529 = tpu.memref_slice %arg6[%dma_wait3A_516, %dma_wait3A_527, %dma_wait3A_528] : memref<6x64x256xf32, #tpu.memory_space<vmem>> -> memref<1x64x256xf32, #tpu.memory_space<vmem>>
        %dma_wait3A_530 = tpu.memref_squeeze %dma_wait3A_529 : memref<1x64x256xf32, #tpu.memory_space<vmem>> -> memref<64x256xf32, #tpu.memory_space<vmem>>
        tpu.wait_dma2 semaphore(%arg18 : memref<!tpu.dma_semaphore, #tpu.memory_space<semaphore_mem>>) src(%dma_wait3A_530 : memref<64x256xf32, #tpu.memory_space<vmem>>) dst(%dma_wait3A_526 : memref<64x256xf32, #tpu.memory_space<hbm>>)
      } else {
      }
      %add3A_305 = arith.constant 5 : i32
      %add3A_306 = arith.addi %mul3A_212, %add3A_305 : i32
      %dma_start3A_307 = arith.constant 5 : i32
      %dma_start3A_308 = arith.constant 0 : i32
      %dma_start3A_309 = arith.constant 0 : i32
      %dma_start3A_310 = tpu.memref_slice %arg6[%dma_start3A_307, %dma_start3A_308, %dma_start3A_309] : memref<6x64x256xf32, #tpu.memory_space<vmem>> -> memref<1x64x256xf32, #tpu.memory_space<vmem>>
      %dma_start3A_311 = tpu.memref_squeeze %dma_start3A_310 : memref<1x64x256xf32, #tpu.memory_space<vmem>> -> memref<64x256xf32, #tpu.memory_space<vmem>>
      %dma_start3A_312 = arith.constant 0 : i32
      %dma_start3A_313 = tpu.memref_slice %arg5[%add3A_306, %dma_start3A_312] : memref<80x64xi32, #tpu.memory_space<vmem>> -> memref<1x64xi32, #tpu.memory_space<vmem>>
      %dma_start3A_314 = tpu.memref_squeeze %dma_start3A_313 : memref<1x64xi32, #tpu.memory_space<vmem>> -> memref<64xi32, #tpu.memory_space<vmem>>
      %dma_start3A_315 = arith.constant 0 : i32
      %dma_start3A_316 = arith.constant 0 : i32
      %dma_start3A_317 = tpu.memref_slice %arg2[%dma_start3A_315, %dma_start3A_316] : memref<16384x256xf32, #tpu.memory_space<hbm>> -> memref<16384x256xf32, #tpu.memory_space<hbm>>
      tpu.enqueue_indirect_dma source(%dma_start3A_317 : memref<16384x256xf32, #tpu.memory_space<hbm>>) target(%dma_start3A_311 : memref<64x256xf32, #tpu.memory_space<vmem>>) offsets(%dma_start3A_314 : memref<64xi32, #tpu.memory_space<vmem>>) semaphore(%arg12 : memref<!tpu.dma_semaphore, #tpu.memory_space<semaphore_mem>>)
      %dma_wait3A_318 = arith.constant 0 : i32
      %dma_wait3A_319 = arith.constant 0 : i32
      %dma_wait3A_320 = arith.constant 0 : i32
      %dma_wait3A_321 = tpu.memref_slice %arg6[%dma_wait3A_318, %dma_wait3A_319, %dma_wait3A_320] : memref<6x64x256xf32, #tpu.memory_space<vmem>> -> memref<1x64x256xf32, #tpu.memory_space<vmem>>
      %dma_wait3A_322 = tpu.memref_squeeze %dma_wait3A_321 : memref<1x64x256xf32, #tpu.memory_space<vmem>> -> memref<64x256xf32, #tpu.memory_space<vmem>>
      %dma_wait3A_323 = arith.constant 0 : i32
      %dma_wait3A_324 = arith.constant 0 : i32
      %dma_wait3A_325 = tpu.memref_slice %arg2[%dma_wait3A_323, %dma_wait3A_324] : memref<16384x256xf32, #tpu.memory_space<hbm>> -> memref<64x256xf32, #tpu.memory_space<hbm>>
      %dma_wait3A_326 = arith.constant 0 : i32
      %dma_wait3A_327 = arith.constant 0 : i32
      %dma_wait3A_328 = tpu.memref_slice %arg6[%dma_wait3A_318, %dma_wait3A_326, %dma_wait3A_327] : memref<6x64x256xf32, #tpu.memory_space<vmem>> -> memref<1x64x256xf32, #tpu.memory_space<vmem>>
      %dma_wait3A_329 = tpu.memref_squeeze %dma_wait3A_328 : memref<1x64x256xf32, #tpu.memory_space<vmem>> -> memref<64x256xf32, #tpu.memory_space<vmem>>
      %dma_wait3A_330 = arith.constant 0 : i32
      %dma_wait3A_331 = arith.constant 0 : i32
      %dma_wait3A_332 = tpu.memref_slice %arg2[%dma_wait3A_330, %dma_wait3A_331] : memref<16384x256xf32, #tpu.memory_space<hbm>> -> memref<64x256xf32, #tpu.memory_space<hbm>>
      tpu.wait_dma2 semaphore(%arg7 : memref<!tpu.dma_semaphore, #tpu.memory_space<semaphore_mem>>) src(%dma_wait3A_332 : memref<64x256xf32, #tpu.memory_space<hbm>>) dst(%dma_wait3A_329 : memref<64x256xf32, #tpu.memory_space<vmem>>)
      %add3A_333 = arith.constant 0 : i32
      %add3A_334 = arith.addi %mul3A_212, %add3A_333 : i32
      %mul3A_335 = arith.constant 64 : i32
      %mul3A_336 = arith.muli %add3A_334, %mul3A_335 : i32
      %add3A_337 = arith.addi %mul3A_2, %mul3A_336 : i32
      %dma_start3A_338 = arith.constant 0 : i32
      %dma_start3A_339 = arith.constant 0 : i32
      %dma_start3A_340 = arith.constant 0 : i32
      %dma_start3A_341 = tpu.memref_slice %arg6[%dma_start3A_338, %dma_start3A_339, %dma_start3A_340] : memref<6x64x256xf32, #tpu.memory_space<vmem>> -> memref<1x64x256xf32, #tpu.memory_space<vmem>>
      %dma_start3A_342 = tpu.memref_squeeze %dma_start3A_341 : memref<1x64x256xf32, #tpu.memory_space<vmem>> -> memref<64x256xf32, #tpu.memory_space<vmem>>
      %dma_start3A_343 = arith.constant 0 : i32
      %dma_start3A_344 = tpu.memref_slice %arg4[%add3A_337, %dma_start3A_343] : memref<163840x256xf32, #tpu.memory_space<hbm>> -> memref<64x256xf32, #tpu.memory_space<hbm>>
      %dma_start3A_345 = arith.constant 0 : i32
      %dma_start3A_346 = tpu.memref_slice %arg4[%add3A_337, %dma_start3A_345] : memref<163840x256xf32, #tpu.memory_space<hbm>> -> memref<64x256xf32, #tpu.memory_space<hbm>>
      %dma_start3A_347 = arith.constant 0 : i32
      %dma_start3A_348 = arith.constant 0 : i32
      %dma_start3A_349 = tpu.memref_slice %arg6[%dma_start3A_338, %dma_start3A_347, %dma_start3A_348] : memref<6x64x256xf32, #tpu.memory_space<vmem>> -> memref<1x64x256xf32, #tpu.memory_space<vmem>>
      %dma_start3A_350 = tpu.memref_squeeze %dma_start3A_349 : memref<1x64x256xf32, #tpu.memory_space<vmem>> -> memref<64x256xf32, #tpu.memory_space<vmem>>
      tpu.enqueue_dma source(%dma_start3A_350 : memref<64x256xf32, #tpu.memory_space<vmem>>) target(%dma_start3A_346 : memref<64x256xf32, #tpu.memory_space<hbm>>) target_semaphore(%arg13 : memref<!tpu.dma_semaphore, #tpu.memory_space<semaphore_mem>>)
      %dma_wait3A_351 = arith.constant 1 : i32
      %dma_wait3A_352 = arith.constant 0 : i32
      %dma_wait3A_353 = arith.constant 0 : i32
      %dma_wait3A_354 = tpu.memref_slice %arg6[%dma_wait3A_351, %dma_wait3A_352, %dma_wait3A_353] : memref<6x64x256xf32, #tpu.memory_space<vmem>> -> memref<1x64x256xf32, #tpu.memory_space<vmem>>
      %dma_wait3A_355 = tpu.memref_squeeze %dma_wait3A_354 : memref<1x64x256xf32, #tpu.memory_space<vmem>> -> memref<64x256xf32, #tpu.memory_space<vmem>>
      %dma_wait3A_356 = arith.constant 0 : i32
      %dma_wait3A_357 = arith.constant 0 : i32
      %dma_wait3A_358 = tpu.memref_slice %arg2[%dma_wait3A_356, %dma_wait3A_357] : memref<16384x256xf32, #tpu.memory_space<hbm>> -> memref<64x256xf32, #tpu.memory_space<hbm>>
      %dma_wait3A_359 = arith.constant 0 : i32
      %dma_wait3A_360 = arith.constant 0 : i32
      %dma_wait3A_361 = tpu.memref_slice %arg6[%dma_wait3A_351, %dma_wait3A_359, %dma_wait3A_360] : memref<6x64x256xf32, #tpu.memory_space<vmem>> -> memref<1x64x256xf32, #tpu.memory_space<vmem>>
      %dma_wait3A_362 = tpu.memref_squeeze %dma_wait3A_361 : memref<1x64x256xf32, #tpu.memory_space<vmem>> -> memref<64x256xf32, #tpu.memory_space<vmem>>
      %dma_wait3A_363 = arith.constant 0 : i32
      %dma_wait3A_364 = arith.constant 0 : i32
      %dma_wait3A_365 = tpu.memref_slice %arg2[%dma_wait3A_363, %dma_wait3A_364] : memref<16384x256xf32, #tpu.memory_space<hbm>> -> memref<64x256xf32, #tpu.memory_space<hbm>>
      tpu.wait_dma2 semaphore(%arg8 : memref<!tpu.dma_semaphore, #tpu.memory_space<semaphore_mem>>) src(%dma_wait3A_365 : memref<64x256xf32, #tpu.memory_space<hbm>>) dst(%dma_wait3A_362 : memref<64x256xf32, #tpu.memory_space<vmem>>)
      %add3A_366 = arith.constant 1 : i32
      %add3A_367 = arith.addi %mul3A_212, %add3A_366 : i32
      %mul3A_368 = arith.constant 64 : i32
      %mul3A_369 = arith.muli %add3A_367, %mul3A_368 : i32
      %add3A_370 = arith.addi %mul3A_2, %mul3A_369 : i32
      %dma_start3A_371 = arith.constant 1 : i32
      %dma_start3A_372 = arith.constant 0 : i32
      %dma_start3A_373 = arith.constant 0 : i32
      %dma_start3A_374 = tpu.memref_slice %arg6[%dma_start3A_371, %dma_start3A_372, %dma_start3A_373] : memref<6x64x256xf32, #tpu.memory_space<vmem>> -> memref<1x64x256xf32, #tpu.memory_space<vmem>>
      %dma_start3A_375 = tpu.memref_squeeze %dma_start3A_374 : memref<1x64x256xf32, #tpu.memory_space<vmem>> -> memref<64x256xf32, #tpu.memory_space<vmem>>
      %dma_start3A_376 = arith.constant 0 : i32
      %dma_start3A_377 = tpu.memref_slice %arg4[%add3A_370, %dma_start3A_376] : memref<163840x256xf32, #tpu.memory_space<hbm>> -> memref<64x256xf32, #tpu.memory_space<hbm>>
      %dma_start3A_378 = arith.constant 0 : i32
      %dma_start3A_379 = tpu.memref_slice %arg4[%add3A_370, %dma_start3A_378] : memref<163840x256xf32, #tpu.memory_space<hbm>> -> memref<64x256xf32, #tpu.memory_space<hbm>>
      %dma_start3A_380 = arith.constant 0 : i32
      %dma_start3A_381 = arith.constant 0 : i32
      %dma_start3A_382 = tpu.memref_slice %arg6[%dma_start3A_371, %dma_start3A_380, %dma_start3A_381] : memref<6x64x256xf32, #tpu.memory_space<vmem>> -> memref<1x64x256xf32, #tpu.memory_space<vmem>>
      %dma_start3A_383 = tpu.memref_squeeze %dma_start3A_382 : memref<1x64x256xf32, #tpu.memory_space<vmem>> -> memref<64x256xf32, #tpu.memory_space<vmem>>
      tpu.enqueue_dma source(%dma_start3A_383 : memref<64x256xf32, #tpu.memory_space<vmem>>) target(%dma_start3A_379 : memref<64x256xf32, #tpu.memory_space<hbm>>) target_semaphore(%arg14 : memref<!tpu.dma_semaphore, #tpu.memory_space<semaphore_mem>>)
      %dma_wait3A_384 = arith.constant 2 : i32
      %dma_wait3A_385 = arith.constant 0 : i32
      %dma_wait3A_386 = arith.constant 0 : i32
      %dma_wait3A_387 = tpu.memref_slice %arg6[%dma_wait3A_384, %dma_wait3A_385, %dma_wait3A_386] : memref<6x64x256xf32, #tpu.memory_space<vmem>> -> memref<1x64x256xf32, #tpu.memory_space<vmem>>
      %dma_wait3A_388 = tpu.memref_squeeze %dma_wait3A_387 : memref<1x64x256xf32, #tpu.memory_space<vmem>> -> memref<64x256xf32, #tpu.memory_space<vmem>>
      %dma_wait3A_389 = arith.constant 0 : i32
      %dma_wait3A_390 = arith.constant 0 : i32
      %dma_wait3A_391 = tpu.memref_slice %arg2[%dma_wait3A_389, %dma_wait3A_390] : memref<16384x256xf32, #tpu.memory_space<hbm>> -> memref<64x256xf32, #tpu.memory_space<hbm>>
      %dma_wait3A_392 = arith.constant 0 : i32
      %dma_wait3A_393 = arith.constant 0 : i32
      %dma_wait3A_394 = tpu.memref_slice %arg6[%dma_wait3A_384, %dma_wait3A_392, %dma_wait3A_393] : memref<6x64x256xf32, #tpu.memory_space<vmem>> -> memref<1x64x256xf32, #tpu.memory_space<vmem>>
      %dma_wait3A_395 = tpu.memref_squeeze %dma_wait3A_394 : memref<1x64x256xf32, #tpu.memory_space<vmem>> -> memref<64x256xf32, #tpu.memory_space<vmem>>
      %dma_wait3A_396 = arith.constant 0 : i32
      %dma_wait3A_397 = arith.constant 0 : i32
      %dma_wait3A_398 = tpu.memref_slice %arg2[%dma_wait3A_396, %dma_wait3A_397] : memref<16384x256xf32, #tpu.memory_space<hbm>> -> memref<64x256xf32, #tpu.memory_space<hbm>>
      tpu.wait_dma2 semaphore(%arg9 : memref<!tpu.dma_semaphore, #tpu.memory_space<semaphore_mem>>) src(%dma_wait3A_398 : memref<64x256xf32, #tpu.memory_space<hbm>>) dst(%dma_wait3A_395 : memref<64x256xf32, #tpu.memory_space<vmem>>)
      %add3A_399 = arith.constant 2 : i32
      %add3A_400 = arith.addi %mul3A_212, %add3A_399 : i32
      %mul3A_401 = arith.constant 64 : i32
      %mul3A_402 = arith.muli %add3A_400, %mul3A_401 : i32
      %add3A_403 = arith.addi %mul3A_2, %mul3A_402 : i32
      %dma_start3A_404 = arith.constant 2 : i32
      %dma_start3A_405 = arith.constant 0 : i32
      %dma_start3A_406 = arith.constant 0 : i32
      %dma_start3A_407 = tpu.memref_slice %arg6[%dma_start3A_404, %dma_start3A_405, %dma_start3A_406] : memref<6x64x256xf32, #tpu.memory_space<vmem>> -> memref<1x64x256xf32, #tpu.memory_space<vmem>>
      %dma_start3A_408 = tpu.memref_squeeze %dma_start3A_407 : memref<1x64x256xf32, #tpu.memory_space<vmem>> -> memref<64x256xf32, #tpu.memory_space<vmem>>
      %dma_start3A_409 = arith.constant 0 : i32
      %dma_start3A_410 = tpu.memref_slice %arg4[%add3A_403, %dma_start3A_409] : memref<163840x256xf32, #tpu.memory_space<hbm>> -> memref<64x256xf32, #tpu.memory_space<hbm>>
      %dma_start3A_411 = arith.constant 0 : i32
      %dma_start3A_412 = tpu.memref_slice %arg4[%add3A_403, %dma_start3A_411] : memref<163840x256xf32, #tpu.memory_space<hbm>> -> memref<64x256xf32, #tpu.memory_space<hbm>>
      %dma_start3A_413 = arith.constant 0 : i32
      %dma_start3A_414 = arith.constant 0 : i32
      %dma_start3A_415 = tpu.memref_slice %arg6[%dma_start3A_404, %dma_start3A_413, %dma_start3A_414] : memref<6x64x256xf32, #tpu.memory_space<vmem>> -> memref<1x64x256xf32, #tpu.memory_space<vmem>>
      %dma_start3A_416 = tpu.memref_squeeze %dma_start3A_415 : memref<1x64x256xf32, #tpu.memory_space<vmem>> -> memref<64x256xf32, #tpu.memory_space<vmem>>
      tpu.enqueue_dma source(%dma_start3A_416 : memref<64x256xf32, #tpu.memory_space<vmem>>) target(%dma_start3A_412 : memref<64x256xf32, #tpu.memory_space<hbm>>) target_semaphore(%arg15 : memref<!tpu.dma_semaphore, #tpu.memory_space<semaphore_mem>>)
      %dma_wait3A_417 = arith.constant 3 : i32
      %dma_wait3A_418 = arith.constant 0 : i32
      %dma_wait3A_419 = arith.constant 0 : i32
      %dma_wait3A_420 = tpu.memref_slice %arg6[%dma_wait3A_417, %dma_wait3A_418, %dma_wait3A_419] : memref<6x64x256xf32, #tpu.memory_space<vmem>> -> memref<1x64x256xf32, #tpu.memory_space<vmem>>
      %dma_wait3A_421 = tpu.memref_squeeze %dma_wait3A_420 : memref<1x64x256xf32, #tpu.memory_space<vmem>> -> memref<64x256xf32, #tpu.memory_space<vmem>>
      %dma_wait3A_422 = arith.constant 0 : i32
      %dma_wait3A_423 = arith.constant 0 : i32
      %dma_wait3A_424 = tpu.memref_slice %arg2[%dma_wait3A_422, %dma_wait3A_423] : memref<16384x256xf32, #tpu.memory_space<hbm>> -> memref<64x256xf32, #tpu.memory_space<hbm>>
      %dma_wait3A_425 = arith.constant 0 : i32
      %dma_wait3A_426 = arith.constant 0 : i32
      %dma_wait3A_427 = tpu.memref_slice %arg6[%dma_wait3A_417, %dma_wait3A_425, %dma_wait3A_426] : memref<6x64x256xf32, #tpu.memory_space<vmem>> -> memref<1x64x256xf32, #tpu.memory_space<vmem>>
      %dma_wait3A_428 = tpu.memref_squeeze %dma_wait3A_427 : memref<1x64x256xf32, #tpu.memory_space<vmem>> -> memref<64x256xf32, #tpu.memory_space<vmem>>
      %dma_wait3A_429 = arith.constant 0 : i32
      %dma_wait3A_430 = arith.constant 0 : i32
      %dma_wait3A_431 = tpu.memref_slice %arg2[%dma_wait3A_429, %dma_wait3A_430] : memref<16384x256xf32, #tpu.memory_space<hbm>> -> memref<64x256xf32, #tpu.memory_space<hbm>>
      tpu.wait_dma2 semaphore(%arg10 : memref<!tpu.dma_semaphore, #tpu.memory_space<semaphore_mem>>) src(%dma_wait3A_431 : memref<64x256xf32, #tpu.memory_space<hbm>>) dst(%dma_wait3A_428 : memref<64x256xf32, #tpu.memory_space<vmem>>)
      %add3A_432 = arith.constant 3 : i32
      %add3A_433 = arith.addi %mul3A_212, %add3A_432 : i32
      %mul3A_434 = arith.constant 64 : i32
      %mul3A_435 = arith.muli %add3A_433, %mul3A_434 : i32
      %add3A_436 = arith.addi %mul3A_2, %mul3A_435 : i32
      %dma_start3A_437 = arith.constant 3 : i32
      %dma_start3A_438 = arith.constant 0 : i32
      %dma_start3A_439 = arith.constant 0 : i32
      %dma_start3A_440 = tpu.memref_slice %arg6[%dma_start3A_437, %dma_start3A_438, %dma_start3A_439] : memref<6x64x256xf32, #tpu.memory_space<vmem>> -> memref<1x64x256xf32, #tpu.memory_space<vmem>>
      %dma_start3A_441 = tpu.memref_squeeze %dma_start3A_440 : memref<1x64x256xf32, #tpu.memory_space<vmem>> -> memref<64x256xf32, #tpu.memory_space<vmem>>
      %dma_start3A_442 = arith.constant 0 : i32
      %dma_start3A_443 = tpu.memref_slice %arg4[%add3A_436, %dma_start3A_442] : memref<163840x256xf32, #tpu.memory_space<hbm>> -> memref<64x256xf32, #tpu.memory_space<hbm>>
      %dma_start3A_444 = arith.constant 0 : i32
      %dma_start3A_445 = tpu.memref_slice %arg4[%add3A_436, %dma_start3A_444] : memref<163840x256xf32, #tpu.memory_space<hbm>> -> memref<64x256xf32, #tpu.memory_space<hbm>>
      %dma_start3A_446 = arith.constant 0 : i32
      %dma_start3A_447 = arith.constant 0 : i32
      %dma_start3A_448 = tpu.memref_slice %arg6[%dma_start3A_437, %dma_start3A_446, %dma_start3A_447] : memref<6x64x256xf32, #tpu.memory_space<vmem>> -> memref<1x64x256xf32, #tpu.memory_space<vmem>>
      %dma_start3A_449 = tpu.memref_squeeze %dma_start3A_448 : memref<1x64x256xf32, #tpu.memory_space<vmem>> -> memref<64x256xf32, #tpu.memory_space<vmem>>
      tpu.enqueue_dma source(%dma_start3A_449 : memref<64x256xf32, #tpu.memory_space<vmem>>) target(%dma_start3A_445 : memref<64x256xf32, #tpu.memory_space<hbm>>) target_semaphore(%arg16 : memref<!tpu.dma_semaphore, #tpu.memory_space<semaphore_mem>>)
      %dma_wait3A_450 = arith.constant 4 : i32
      %dma_wait3A_451 = arith.constant 0 : i32
      %dma_wait3A_452 = arith.constant 0 : i32
      %dma_wait3A_453 = tpu.memref_slice %arg6[%dma_wait3A_450, %dma_wait3A_451, %dma_wait3A_452] : memref<6x64x256xf32, #tpu.memory_space<vmem>> -> memref<1x64x256xf32, #tpu.memory_space<vmem>>
      %dma_wait3A_454 = tpu.memref_squeeze %dma_wait3A_453 : memref<1x64x256xf32, #tpu.memory_space<vmem>> -> memref<64x256xf32, #tpu.memory_space<vmem>>
      %dma_wait3A_455 = arith.constant 0 : i32
      %dma_wait3A_456 = arith.constant 0 : i32
      %dma_wait3A_457 = tpu.memref_slice %arg2[%dma_wait3A_455, %dma_wait3A_456] : memref<16384x256xf32, #tpu.memory_space<hbm>> -> memref<64x256xf32, #tpu.memory_space<hbm>>
      %dma_wait3A_458 = arith.constant 0 : i32
      %dma_wait3A_459 = arith.constant 0 : i32
      %dma_wait3A_460 = tpu.memref_slice %arg6[%dma_wait3A_450, %dma_wait3A_458, %dma_wait3A_459] : memref<6x64x256xf32, #tpu.memory_space<vmem>> -> memref<1x64x256xf32, #tpu.memory_space<vmem>>
      %dma_wait3A_461 = tpu.memref_squeeze %dma_wait3A_460 : memref<1x64x256xf32, #tpu.memory_space<vmem>> -> memref<64x256xf32, #tpu.memory_space<vmem>>
      %dma_wait3A_462 = arith.constant 0 : i32
      %dma_wait3A_463 = arith.constant 0 : i32
      %dma_wait3A_464 = tpu.memref_slice %arg2[%dma_wait3A_462, %dma_wait3A_463] : memref<16384x256xf32, #tpu.memory_space<hbm>> -> memref<64x256xf32, #tpu.memory_space<hbm>>
      tpu.wait_dma2 semaphore(%arg11 : memref<!tpu.dma_semaphore, #tpu.memory_space<semaphore_mem>>) src(%dma_wait3A_464 : memref<64x256xf32, #tpu.memory_space<hbm>>) dst(%dma_wait3A_461 : memref<64x256xf32, #tpu.memory_space<vmem>>)
      %add3A_465 = arith.constant 4 : i32
      %add3A_466 = arith.addi %mul3A_212, %add3A_465 : i32
      %mul3A_467 = arith.constant 64 : i32
      %mul3A_468 = arith.muli %add3A_466, %mul3A_467 : i32
      %add3A_469 = arith.addi %mul3A_2, %mul3A_468 : i32
      %dma_start3A_470 = arith.constant 4 : i32
      %dma_start3A_471 = arith.constant 0 : i32
      %dma_start3A_472 = arith.constant 0 : i32
      %dma_start3A_473 = tpu.memref_slice %arg6[%dma_start3A_470, %dma_start3A_471, %dma_start3A_472] : memref<6x64x256xf32, #tpu.memory_space<vmem>> -> memref<1x64x256xf32, #tpu.memory_space<vmem>>
      %dma_start3A_474 = tpu.memref_squeeze %dma_start3A_473 : memref<1x64x256xf32, #tpu.memory_space<vmem>> -> memref<64x256xf32, #tpu.memory_space<vmem>>
      %dma_start3A_475 = arith.constant 0 : i32
      %dma_start3A_476 = tpu.memref_slice %arg4[%add3A_469, %dma_start3A_475] : memref<163840x256xf32, #tpu.memory_space<hbm>> -> memref<64x256xf32, #tpu.memory_space<hbm>>
      %dma_start3A_477 = arith.constant 0 : i32
      %dma_start3A_478 = tpu.memref_slice %arg4[%add3A_469, %dma_start3A_477] : memref<163840x256xf32, #tpu.memory_space<hbm>> -> memref<64x256xf32, #tpu.memory_space<hbm>>
      %dma_start3A_479 = arith.constant 0 : i32
      %dma_start3A_480 = arith.constant 0 : i32
      %dma_start3A_481 = tpu.memref_slice %arg6[%dma_start3A_470, %dma_start3A_479, %dma_start3A_480] : memref<6x64x256xf32, #tpu.memory_space<vmem>> -> memref<1x64x256xf32, #tpu.memory_space<vmem>>
      %dma_start3A_482 = tpu.memref_squeeze %dma_start3A_481 : memref<1x64x256xf32, #tpu.memory_space<vmem>> -> memref<64x256xf32, #tpu.memory_space<vmem>>
      tpu.enqueue_dma source(%dma_start3A_482 : memref<64x256xf32, #tpu.memory_space<vmem>>) target(%dma_start3A_478 : memref<64x256xf32, #tpu.memory_space<hbm>>) target_semaphore(%arg17 : memref<!tpu.dma_semaphore, #tpu.memory_space<semaphore_mem>>)
      %dma_wait3A_483 = arith.constant 5 : i32
      %dma_wait3A_484 = arith.constant 0 : i32
      %dma_wait3A_485 = arith.constant 0 : i32
      %dma_wait3A_486 = tpu.memref_slice %arg6[%dma_wait3A_483, %dma_wait3A_484, %dma_wait3A_485] : memref<6x64x256xf32, #tpu.memory_space<vmem>> -> memref<1x64x256xf32, #tpu.memory_space<vmem>>
      %dma_wait3A_487 = tpu.memref_squeeze %dma_wait3A_486 : memref<1x64x256xf32, #tpu.memory_space<vmem>> -> memref<64x256xf32, #tpu.memory_space<vmem>>
      %dma_wait3A_488 = arith.constant 0 : i32
      %dma_wait3A_489 = arith.constant 0 : i32
      %dma_wait3A_490 = tpu.memref_slice %arg2[%dma_wait3A_488, %dma_wait3A_489] : memref<16384x256xf32, #tpu.memory_space<hbm>> -> memref<64x256xf32, #tpu.memory_space<hbm>>
      %dma_wait3A_491 = arith.constant 0 : i32
      %dma_wait3A_492 = arith.constant 0 : i32
      %dma_wait3A_493 = tpu.memref_slice %arg6[%dma_wait3A_483, %dma_wait3A_491, %dma_wait3A_492] : memref<6x64x256xf32, #tpu.memory_space<vmem>> -> memref<1x64x256xf32, #tpu.memory_space<vmem>>
      %dma_wait3A_494 = tpu.memref_squeeze %dma_wait3A_493 : memref<1x64x256xf32, #tpu.memory_space<vmem>> -> memref<64x256xf32, #tpu.memory_space<vmem>>
      %dma_wait3A_495 = arith.constant 0 : i32
      %dma_wait3A_496 = arith.constant 0 : i32
      %dma_wait3A_497 = tpu.memref_slice %arg2[%dma_wait3A_495, %dma_wait3A_496] : memref<16384x256xf32, #tpu.memory_space<hbm>> -> memref<64x256xf32, #tpu.memory_space<hbm>>
      tpu.wait_dma2 semaphore(%arg12 : memref<!tpu.dma_semaphore, #tpu.memory_space<semaphore_mem>>) src(%dma_wait3A_497 : memref<64x256xf32, #tpu.memory_space<hbm>>) dst(%dma_wait3A_494 : memref<64x256xf32, #tpu.memory_space<vmem>>)
      %add3A_498 = arith.constant 5 : i32
      %add3A_499 = arith.addi %mul3A_212, %add3A_498 : i32
      %mul3A_500 = arith.constant 64 : i32
      %mul3A_501 = arith.muli %add3A_499, %mul3A_500 : i32
      %add3A_502 = arith.addi %mul3A_2, %mul3A_501 : i32
      %dma_start3A_503 = arith.constant 5 : i32
      %dma_start3A_504 = arith.constant 0 : i32
      %dma_start3A_505 = arith.constant 0 : i32
      %dma_start3A_506 = tpu.memref_slice %arg6[%dma_start3A_503, %dma_start3A_504, %dma_start3A_505] : memref<6x64x256xf32, #tpu.memory_space<vmem>> -> memref<1x64x256xf32, #tpu.memory_space<vmem>>
      %dma_start3A_507 = tpu.memref_squeeze %dma_start3A_506 : memref<1x64x256xf32, #tpu.memory_space<vmem>> -> memref<64x256xf32, #tpu.memory_space<vmem>>
      %dma_start3A_508 = arith.constant 0 : i32
      %dma_start3A_509 = tpu.memref_slice %arg4[%add3A_502, %dma_start3A_508] : memref<163840x256xf32, #tpu.memory_space<hbm>> -> memref<64x256xf32, #tpu.memory_space<hbm>>
      %dma_start3A_510 = arith.constant 0 : i32
      %dma_start3A_511 = tpu.memref_slice %arg4[%add3A_502, %dma_start3A_510] : memref<163840x256xf32, #tpu.memory_space<hbm>> -> memref<64x256xf32, #tpu.memory_space<hbm>>
      %dma_start3A_512 = arith.constant 0 : i32
      %dma_start3A_513 = arith.constant 0 : i32
      %dma_start3A_514 = tpu.memref_slice %arg6[%dma_start3A_503, %dma_start3A_512, %dma_start3A_513] : memref<6x64x256xf32, #tpu.memory_space<vmem>> -> memref<1x64x256xf32, #tpu.memory_space<vmem>>
      %dma_start3A_515 = tpu.memref_squeeze %dma_start3A_514 : memref<1x64x256xf32, #tpu.memory_space<vmem>> -> memref<64x256xf32, #tpu.memory_space<vmem>>
      tpu.enqueue_dma source(%dma_start3A_515 : memref<64x256xf32, #tpu.memory_space<vmem>>) target(%dma_start3A_511 : memref<64x256xf32, #tpu.memory_space<hbm>>) target_semaphore(%arg18 : memref<!tpu.dma_semaphore, #tpu.memory_space<semaphore_mem>>)
    }
    %scan3A_7 = arith.constant 13 : i32
    %dma_wait3A = arith.constant 0 : i32
    %dma_wait3A_8 = arith.constant 0 : i32
    %dma_wait3A_9 = arith.constant 0 : i32
    %dma_wait3A_10 = tpu.memref_slice %arg6[%dma_wait3A, %dma_wait3A_8, %dma_wait3A_9] : memref<6x64x256xf32, #tpu.memory_space<vmem>> -> memref<1x64x256xf32, #tpu.memory_space<vmem>>
    %dma_wait3A_11 = tpu.memref_squeeze %dma_wait3A_10 : memref<1x64x256xf32, #tpu.memory_space<vmem>> -> memref<64x256xf32, #tpu.memory_space<vmem>>
    %dma_wait3A_12 = arith.constant 0 : i32
    %dma_wait3A_13 = arith.constant 0 : i32
    %dma_wait3A_14 = tpu.memref_slice %arg4[%dma_wait3A_12, %dma_wait3A_13] : memref<163840x256xf32, #tpu.memory_space<hbm>> -> memref<64x256xf32, #tpu.memory_space<hbm>>
    %dma_wait3A_15 = arith.constant 0 : i32
    %dma_wait3A_16 = arith.constant 0 : i32
    %dma_wait3A_17 = tpu.memref_slice %arg4[%dma_wait3A_15, %dma_wait3A_16] : memref<163840x256xf32, #tpu.memory_space<hbm>> -> memref<64x256xf32, #tpu.memory_space<hbm>>
    %dma_wait3A_18 = arith.constant 0 : i32
    %dma_wait3A_19 = arith.constant 0 : i32
    %dma_wait3A_20 = tpu.memref_slice %arg6[%dma_wait3A, %dma_wait3A_18, %dma_wait3A_19] : memref<6x64x256xf32, #tpu.memory_space<vmem>> -> memref<1x64x256xf32, #tpu.memory_space<vmem>>
    %dma_wait3A_21 = tpu.memref_squeeze %dma_wait3A_20 : memref<1x64x256xf32, #tpu.memory_space<vmem>> -> memref<64x256xf32, #tpu.memory_space<vmem>>
    tpu.wait_dma2 semaphore(%arg13 : memref<!tpu.dma_semaphore, #tpu.memory_space<semaphore_mem>>) src(%dma_wait3A_21 : memref<64x256xf32, #tpu.memory_space<vmem>>) dst(%dma_wait3A_17 : memref<64x256xf32, #tpu.memory_space<hbm>>)
    %dma_start3A = arith.constant 78 : i32
    %dma_start3A_22 = arith.constant 0 : i32
    %dma_start3A_23 = arith.constant 0 : i32
    %dma_start3A_24 = arith.constant 0 : i32
    %dma_start3A_25 = tpu.memref_slice %arg6[%dma_start3A_22, %dma_start3A_23, %dma_start3A_24] : memref<6x64x256xf32, #tpu.memory_space<vmem>> -> memref<1x64x256xf32, #tpu.memory_space<vmem>>
    %dma_start3A_26 = tpu.memref_squeeze %dma_start3A_25 : memref<1x64x256xf32, #tpu.memory_space<vmem>> -> memref<64x256xf32, #tpu.memory_space<vmem>>
    %dma_start3A_27 = arith.constant 0 : i32
    %dma_start3A_28 = tpu.memref_slice %arg5[%dma_start3A, %dma_start3A_27] : memref<80x64xi32, #tpu.memory_space<vmem>> -> memref<1x64xi32, #tpu.memory_space<vmem>>
    %dma_start3A_29 = tpu.memref_squeeze %dma_start3A_28 : memref<1x64xi32, #tpu.memory_space<vmem>> -> memref<64xi32, #tpu.memory_space<vmem>>
    %dma_start3A_30 = arith.constant 0 : i32
    %dma_start3A_31 = arith.constant 0 : i32
    %dma_start3A_32 = tpu.memref_slice %arg2[%dma_start3A_30, %dma_start3A_31] : memref<16384x256xf32, #tpu.memory_space<hbm>> -> memref<16384x256xf32, #tpu.memory_space<hbm>>
    tpu.enqueue_indirect_dma source(%dma_start3A_32 : memref<16384x256xf32, #tpu.memory_space<hbm>>) target(%dma_start3A_26 : memref<64x256xf32, #tpu.memory_space<vmem>>) offsets(%dma_start3A_29 : memref<64xi32, #tpu.memory_space<vmem>>) semaphore(%arg7 : memref<!tpu.dma_semaphore, #tpu.memory_space<semaphore_mem>>)
    %dma_wait3A_33 = arith.constant 1 : i32
    %dma_wait3A_34 = arith.constant 0 : i32
    %dma_wait3A_35 = arith.constant 0 : i32
    %dma_wait3A_36 = tpu.memref_slice %arg6[%dma_wait3A_33, %dma_wait3A_34, %dma_wait3A_35] : memref<6x64x256xf32, #tpu.memory_space<vmem>> -> memref<1x64x256xf32, #tpu.memory_space<vmem>>
    %dma_wait3A_37 = tpu.memref_squeeze %dma_wait3A_36 : memref<1x64x256xf32, #tpu.memory_space<vmem>> -> memref<64x256xf32, #tpu.memory_space<vmem>>
    %dma_wait3A_38 = arith.constant 0 : i32
    %dma_wait3A_39 = arith.constant 0 : i32
    %dma_wait3A_40 = tpu.memref_slice %arg4[%dma_wait3A_38, %dma_wait3A_39] : memref<163840x256xf32, #tpu.memory_space<hbm>> -> memref<64x256xf32, #tpu.memory_space<hbm>>
    %dma_wait3A_41 = arith.constant 0 : i32
    %dma_wait3A_42 = arith.constant 0 : i32
    %dma_wait3A_43 = tpu.memref_slice %arg4[%dma_wait3A_41, %dma_wait3A_42] : memref<163840x256xf32, #tpu.memory_space<hbm>> -> memref<64x256xf32, #tpu.memory_space<hbm>>
    %dma_wait3A_44 = arith.constant 0 : i32
    %dma_wait3A_45 = arith.constant 0 : i32
    %dma_wait3A_46 = tpu.memref_slice %arg6[%dma_wait3A_33, %dma_wait3A_44, %dma_wait3A_45] : memref<6x64x256xf32, #tpu.memory_space<vmem>> -> memref<1x64x256xf32, #tpu.memory_space<vmem>>
    %dma_wait3A_47 = tpu.memref_squeeze %dma_wait3A_46 : memref<1x64x256xf32, #tpu.memory_space<vmem>> -> memref<64x256xf32, #tpu.memory_space<vmem>>
    tpu.wait_dma2 semaphore(%arg14 : memref<!tpu.dma_semaphore, #tpu.memory_space<semaphore_mem>>) src(%dma_wait3A_47 : memref<64x256xf32, #tpu.memory_space<vmem>>) dst(%dma_wait3A_43 : memref<64x256xf32, #tpu.memory_space<hbm>>)
    %dma_start3A_48 = arith.constant 79 : i32
    %dma_start3A_49 = arith.constant 1 : i32
    %dma_start3A_50 = arith.constant 0 : i32
    %dma_start3A_51 = arith.constant 0 : i32
    %dma_start3A_52 = tpu.memref_slice %arg6[%dma_start3A_49, %dma_start3A_50, %dma_start3A_51] : memref<6x64x256xf32, #tpu.memory_space<vmem>> -> memref<1x64x256xf32, #tpu.memory_space<vmem>>
    %dma_start3A_53 = tpu.memref_squeeze %dma_start3A_52 : memref<1x64x256xf32, #tpu.memory_space<vmem>> -> memref<64x256xf32, #tpu.memory_space<vmem>>
    %dma_start3A_54 = arith.constant 0 : i32
    %dma_start3A_55 = tpu.memref_slice %arg5[%dma_start3A_48, %dma_start3A_54] : memref<80x64xi32, #tpu.memory_space<vmem>> -> memref<1x64xi32, #tpu.memory_space<vmem>>
    %dma_start3A_56 = tpu.memref_squeeze %dma_start3A_55 : memref<1x64xi32, #tpu.memory_space<vmem>> -> memref<64xi32, #tpu.memory_space<vmem>>
    %dma_start3A_57 = arith.constant 0 : i32
    %dma_start3A_58 = arith.constant 0 : i32
    %dma_start3A_59 = tpu.memref_slice %arg2[%dma_start3A_57, %dma_start3A_58] : memref<16384x256xf32, #tpu.memory_space<hbm>> -> memref<16384x256xf32, #tpu.memory_space<hbm>>
    tpu.enqueue_indirect_dma source(%dma_start3A_59 : memref<16384x256xf32, #tpu.memory_space<hbm>>) target(%dma_start3A_53 : memref<64x256xf32, #tpu.memory_space<vmem>>) offsets(%dma_start3A_56 : memref<64xi32, #tpu.memory_space<vmem>>) semaphore(%arg8 : memref<!tpu.dma_semaphore, #tpu.memory_space<semaphore_mem>>)
    %dma_wait3A_60 = arith.constant 0 : i32
    %dma_wait3A_61 = arith.constant 0 : i32
    %dma_wait3A_62 = arith.constant 0 : i32
    %dma_wait3A_63 = tpu.memref_slice %arg6[%dma_wait3A_60, %dma_wait3A_61, %dma_wait3A_62] : memref<6x64x256xf32, #tpu.memory_space<vmem>> -> memref<1x64x256xf32, #tpu.memory_space<vmem>>
    %dma_wait3A_64 = tpu.memref_squeeze %dma_wait3A_63 : memref<1x64x256xf32, #tpu.memory_space<vmem>> -> memref<64x256xf32, #tpu.memory_space<vmem>>
    %dma_wait3A_65 = arith.constant 0 : i32
    %dma_wait3A_66 = arith.constant 0 : i32
    %dma_wait3A_67 = tpu.memref_slice %arg2[%dma_wait3A_65, %dma_wait3A_66] : memref<16384x256xf32, #tpu.memory_space<hbm>> -> memref<64x256xf32, #tpu.memory_space<hbm>>
    %dma_wait3A_68 = arith.constant 0 : i32
    %dma_wait3A_69 = arith.constant 0 : i32
    %dma_wait3A_70 = tpu.memref_slice %arg6[%dma_wait3A_60, %dma_wait3A_68, %dma_wait3A_69] : memref<6x64x256xf32, #tpu.memory_space<vmem>> -> memref<1x64x256xf32, #tpu.memory_space<vmem>>
    %dma_wait3A_71 = tpu.memref_squeeze %dma_wait3A_70 : memref<1x64x256xf32, #tpu.memory_space<vmem>> -> memref<64x256xf32, #tpu.memory_space<vmem>>
    %dma_wait3A_72 = arith.constant 0 : i32
    %dma_wait3A_73 = arith.constant 0 : i32
    %dma_wait3A_74 = tpu.memref_slice %arg2[%dma_wait3A_72, %dma_wait3A_73] : memref<16384x256xf32, #tpu.memory_space<hbm>> -> memref<64x256xf32, #tpu.memory_space<hbm>>
    tpu.wait_dma2 semaphore(%arg7 : memref<!tpu.dma_semaphore, #tpu.memory_space<semaphore_mem>>) src(%dma_wait3A_74 : memref<64x256xf32, #tpu.memory_space<hbm>>) dst(%dma_wait3A_71 : memref<64x256xf32, #tpu.memory_space<vmem>>)
    %add3A_75 = arith.constant 4992 : i32
    %add3A_76 = arith.addi %mul3A_2, %add3A_75 : i32
    %dma_start3A_77 = arith.constant 0 : i32
    %dma_start3A_78 = arith.constant 0 : i32
    %dma_start3A_79 = arith.constant 0 : i32
    %dma_start3A_80 = tpu.memref_slice %arg6[%dma_start3A_77, %dma_start3A_78, %dma_start3A_79] : memref<6x64x256xf32, #tpu.memory_space<vmem>> -> memref<1x64x256xf32, #tpu.memory_space<vmem>>
    %dma_start3A_81 = tpu.memref_squeeze %dma_start3A_80 : memref<1x64x256xf32, #tpu.memory_space<vmem>> -> memref<64x256xf32, #tpu.memory_space<vmem>>
    %dma_start3A_82 = arith.constant 0 : i32
    %dma_start3A_83 = tpu.memref_slice %arg4[%add3A_76, %dma_start3A_82] : memref<163840x256xf32, #tpu.memory_space<hbm>> -> memref<64x256xf32, #tpu.memory_space<hbm>>
    %dma_start3A_84 = arith.constant 0 : i32
    %dma_start3A_85 = tpu.memref_slice %arg4[%add3A_76, %dma_start3A_84] : memref<163840x256xf32, #tpu.memory_space<hbm>> -> memref<64x256xf32, #tpu.memory_space<hbm>>
    %dma_start3A_86 = arith.constant 0 : i32
    %dma_start3A_87 = arith.constant 0 : i32
    %dma_start3A_88 = tpu.memref_slice %arg6[%dma_start3A_77, %dma_start3A_86, %dma_start3A_87] : memref<6x64x256xf32, #tpu.memory_space<vmem>> -> memref<1x64x256xf32, #tpu.memory_space<vmem>>
    %dma_start3A_89 = tpu.memref_squeeze %dma_start3A_88 : memref<1x64x256xf32, #tpu.memory_space<vmem>> -> memref<64x256xf32, #tpu.memory_space<vmem>>
    tpu.enqueue_dma source(%dma_start3A_89 : memref<64x256xf32, #tpu.memory_space<vmem>>) target(%dma_start3A_85 : memref<64x256xf32, #tpu.memory_space<hbm>>) target_semaphore(%arg13 : memref<!tpu.dma_semaphore, #tpu.memory_space<semaphore_mem>>)
    %dma_wait3A_90 = arith.constant 1 : i32
    %dma_wait3A_91 = arith.constant 0 : i32
    %dma_wait3A_92 = arith.constant 0 : i32
    %dma_wait3A_93 = tpu.memref_slice %arg6[%dma_wait3A_90, %dma_wait3A_91, %dma_wait3A_92] : memref<6x64x256xf32, #tpu.memory_space<vmem>> -> memref<1x64x256xf32, #tpu.memory_space<vmem>>
    %dma_wait3A_94 = tpu.memref_squeeze %dma_wait3A_93 : memref<1x64x256xf32, #tpu.memory_space<vmem>> -> memref<64x256xf32, #tpu.memory_space<vmem>>
    %dma_wait3A_95 = arith.constant 0 : i32
    %dma_wait3A_96 = arith.constant 0 : i32
    %dma_wait3A_97 = tpu.memref_slice %arg2[%dma_wait3A_95, %dma_wait3A_96] : memref<16384x256xf32, #tpu.memory_space<hbm>> -> memref<64x256xf32, #tpu.memory_space<hbm>>
    %dma_wait3A_98 = arith.constant 0 : i32
    %dma_wait3A_99 = arith.constant 0 : i32
    %dma_wait3A_100 = tpu.memref_slice %arg6[%dma_wait3A_90, %dma_wait3A_98, %dma_wait3A_99] : memref<6x64x256xf32, #tpu.memory_space<vmem>> -> memref<1x64x256xf32, #tpu.memory_space<vmem>>
    %dma_wait3A_101 = tpu.memref_squeeze %dma_wait3A_100 : memref<1x64x256xf32, #tpu.memory_space<vmem>> -> memref<64x256xf32, #tpu.memory_space<vmem>>
    %dma_wait3A_102 = arith.constant 0 : i32
    %dma_wait3A_103 = arith.constant 0 : i32
    %dma_wait3A_104 = tpu.memref_slice %arg2[%dma_wait3A_102, %dma_wait3A_103] : memref<16384x256xf32, #tpu.memory_space<hbm>> -> memref<64x256xf32, #tpu.memory_space<hbm>>
    tpu.wait_dma2 semaphore(%arg8 : memref<!tpu.dma_semaphore, #tpu.memory_space<semaphore_mem>>) src(%dma_wait3A_104 : memref<64x256xf32, #tpu.memory_space<hbm>>) dst(%dma_wait3A_101 : memref<64x256xf32, #tpu.memory_space<vmem>>)
    %add3A_105 = arith.constant 5056 : i32
    %add3A_106 = arith.addi %mul3A_2, %add3A_105 : i32
    %dma_start3A_107 = arith.constant 1 : i32
    %dma_start3A_108 = arith.constant 0 : i32
    %dma_start3A_109 = arith.constant 0 : i32
    %dma_start3A_110 = tpu.memref_slice %arg6[%dma_start3A_107, %dma_start3A_108, %dma_start3A_109] : memref<6x64x256xf32, #tpu.memory_space<vmem>> -> memref<1x64x256xf32, #tpu.memory_space<vmem>>
    %dma_start3A_111 = tpu.memref_squeeze %dma_start3A_110 : memref<1x64x256xf32, #tpu.memory_space<vmem>> -> memref<64x256xf32, #tpu.memory_space<vmem>>
    %dma_start3A_112 = arith.constant 0 : i32
    %dma_start3A_113 = tpu.memref_slice %arg4[%add3A_106, %dma_start3A_112] : memref<163840x256xf32, #tpu.memory_space<hbm>> -> memref<64x256xf32, #tpu.memory_space<hbm>>
    %dma_start3A_114 = arith.constant 0 : i32
    %dma_start3A_115 = tpu.memref_slice %arg4[%add3A_106, %dma_start3A_114] : memref<163840x256xf32, #tpu.memory_space<hbm>> -> memref<64x256xf32, #tpu.memory_space<hbm>>
    %dma_start3A_116 = arith.constant 0 : i32
    %dma_start3A_117 = arith.constant 0 : i32
    %dma_start3A_118 = tpu.memref_slice %arg6[%dma_start3A_107, %dma_start3A_116, %dma_start3A_117] : memref<6x64x256xf32, #tpu.memory_space<vmem>> -> memref<1x64x256xf32, #tpu.memory_space<vmem>>
    %dma_start3A_119 = tpu.memref_squeeze %dma_start3A_118 : memref<1x64x256xf32, #tpu.memory_space<vmem>> -> memref<64x256xf32, #tpu.memory_space<vmem>>
    tpu.enqueue_dma source(%dma_start3A_119 : memref<64x256xf32, #tpu.memory_space<vmem>>) target(%dma_start3A_115 : memref<64x256xf32, #tpu.memory_space<hbm>>) target_semaphore(%arg14 : memref<!tpu.dma_semaphore, #tpu.memory_space<semaphore_mem>>)
    %dma_wait3A_120 = arith.constant 0 : i32
    %dma_wait3A_121 = arith.constant 0 : i32
    %dma_wait3A_122 = arith.constant 0 : i32
    %dma_wait3A_123 = tpu.memref_slice %arg6[%dma_wait3A_120, %dma_wait3A_121, %dma_wait3A_122] : memref<6x64x256xf32, #tpu.memory_space<vmem>> -> memref<1x64x256xf32, #tpu.memory_space<vmem>>
    %dma_wait3A_124 = tpu.memref_squeeze %dma_wait3A_123 : memref<1x64x256xf32, #tpu.memory_space<vmem>> -> memref<64x256xf32, #tpu.memory_space<vmem>>
    %dma_wait3A_125 = arith.constant 0 : i32
    %dma_wait3A_126 = arith.constant 0 : i32
    %dma_wait3A_127 = tpu.memref_slice %arg4[%dma_wait3A_125, %dma_wait3A_126] : memref<163840x256xf32, #tpu.memory_space<hbm>> -> memref<64x256xf32, #tpu.memory_space<hbm>>
    %dma_wait3A_128 = arith.constant 0 : i32
    %dma_wait3A_129 = arith.constant 0 : i32
    %dma_wait3A_130 = tpu.memref_slice %arg4[%dma_wait3A_128, %dma_wait3A_129] : memref<163840x256xf32, #tpu.memory_space<hbm>> -> memref<64x256xf32, #tpu.memory_space<hbm>>
    %dma_wait3A_131 = arith.constant 0 : i32
    %dma_wait3A_132 = arith.constant 0 : i32
    %dma_wait3A_133 = tpu.memref_slice %arg6[%dma_wait3A_120, %dma_wait3A_131, %dma_wait3A_132] : memref<6x64x256xf32, #tpu.memory_space<vmem>> -> memref<1x64x256xf32, #tpu.memory_space<vmem>>
    %dma_wait3A_134 = tpu.memref_squeeze %dma_wait3A_133 : memref<1x64x256xf32, #tpu.memory_space<vmem>> -> memref<64x256xf32, #tpu.memory_space<vmem>>
    tpu.wait_dma2 semaphore(%arg13 : memref<!tpu.dma_semaphore, #tpu.memory_space<semaphore_mem>>) src(%dma_wait3A_134 : memref<64x256xf32, #tpu.memory_space<vmem>>) dst(%dma_wait3A_130 : memref<64x256xf32, #tpu.memory_space<hbm>>)
    %dma_wait3A_135 = arith.constant 1 : i32
    %dma_wait3A_136 = arith.constant 0 : i32
    %dma_wait3A_137 = arith.constant 0 : i32
    %dma_wait3A_138 = tpu.memref_slice %arg6[%dma_wait3A_135, %dma_wait3A_136, %dma_wait3A_137] : memref<6x64x256xf32, #tpu.memory_space<vmem>> -> memref<1x64x256xf32, #tpu.memory_space<vmem>>
    %dma_wait3A_139 = tpu.memref_squeeze %dma_wait3A_138 : memref<1x64x256xf32, #tpu.memory_space<vmem>> -> memref<64x256xf32, #tpu.memory_space<vmem>>
    %dma_wait3A_140 = arith.constant 0 : i32
    %dma_wait3A_141 = arith.constant 0 : i32
    %dma_wait3A_142 = tpu.memref_slice %arg4[%dma_wait3A_140, %dma_wait3A_141] : memref<163840x256xf32, #tpu.memory_space<hbm>> -> memref<64x256xf32, #tpu.memory_space<hbm>>
    %dma_wait3A_143 = arith.constant 0 : i32
    %dma_wait3A_144 = arith.constant 0 : i32
    %dma_wait3A_145 = tpu.memref_slice %arg4[%dma_wait3A_143, %dma_wait3A_144] : memref<163840x256xf32, #tpu.memory_space<hbm>> -> memref<64x256xf32, #tpu.memory_space<hbm>>
    %dma_wait3A_146 = arith.constant 0 : i32
    %dma_wait3A_147 = arith.constant 0 : i32
    %dma_wait3A_148 = tpu.memref_slice %arg6[%dma_wait3A_135, %dma_wait3A_146, %dma_wait3A_147] : memref<6x64x256xf32, #tpu.memory_space<vmem>> -> memref<1x64x256xf32, #tpu.memory_space<vmem>>
    %dma_wait3A_149 = tpu.memref_squeeze %dma_wait3A_148 : memref<1x64x256xf32, #tpu.memory_space<vmem>> -> memref<64x256xf32, #tpu.memory_space<vmem>>
    tpu.wait_dma2 semaphore(%arg14 : memref<!tpu.dma_semaphore, #tpu.memory_space<semaphore_mem>>) src(%dma_wait3A_149 : memref<64x256xf32, #tpu.memory_space<vmem>>) dst(%dma_wait3A_145 : memref<64x256xf32, #tpu.memory_space<hbm>>)
    %dma_wait3A_150 = arith.constant 2 : i32
    %dma_wait3A_151 = arith.constant 0 : i32
    %dma_wait3A_152 = arith.constant 0 : i32
    %dma_wait3A_153 = tpu.memref_slice %arg6[%dma_wait3A_150, %dma_wait3A_151, %dma_wait3A_152] : memref<6x64x256xf32, #tpu.memory_space<vmem>> -> memref<1x64x256xf32, #tpu.memory_space<vmem>>
    %dma_wait3A_154 = tpu.memref_squeeze %dma_wait3A_153 : memref<1x64x256xf32, #tpu.memory_space<vmem>> -> memref<64x256xf32, #tpu.memory_space<vmem>>
    %dma_wait3A_155 = arith.constant 0 : i32
    %dma_wait3A_156 = arith.constant 0 : i32
    %dma_wait3A_157 = tpu.memref_slice %arg4[%dma_wait3A_155, %dma_wait3A_156] : memref<163840x256xf32, #tpu.memory_space<hbm>> -> memref<64x256xf32, #tpu.memory_space<hbm>>
    %dma_wait3A_158 = arith.constant 0 : i32
    %dma_wait3A_159 = arith.constant 0 : i32
    %dma_wait3A_160 = tpu.memref_slice %arg4[%dma_wait3A_158, %dma_wait3A_159] : memref<163840x256xf32, #tpu.memory_space<hbm>> -> memref<64x256xf32, #tpu.memory_space<hbm>>
    %dma_wait3A_161 = arith.constant 0 : i32
    %dma_wait3A_162 = arith.constant 0 : i32
    %dma_wait3A_163 = tpu.memref_slice %arg6[%dma_wait3A_150, %dma_wait3A_161, %dma_wait3A_162] : memref<6x64x256xf32, #tpu.memory_space<vmem>> -> memref<1x64x256xf32, #tpu.memory_space<vmem>>
    %dma_wait3A_164 = tpu.memref_squeeze %dma_wait3A_163 : memref<1x64x256xf32, #tpu.memory_space<vmem>> -> memref<64x256xf32, #tpu.memory_space<vmem>>
    tpu.wait_dma2 semaphore(%arg15 : memref<!tpu.dma_semaphore, #tpu.memory_space<semaphore_mem>>) src(%dma_wait3A_164 : memref<64x256xf32, #tpu.memory_space<vmem>>) dst(%dma_wait3A_160 : memref<64x256xf32, #tpu.memory_space<hbm>>)
    %dma_wait3A_165 = arith.constant 3 : i32
    %dma_wait3A_166 = arith.constant 0 : i32
    %dma_wait3A_167 = arith.constant 0 : i32
    %dma_wait3A_168 = tpu.memref_slice %arg6[%dma_wait3A_165, %dma_wait3A_166, %dma_wait3A_167] : memref<6x64x256xf32, #tpu.memory_space<vmem>> -> memref<1x64x256xf32, #tpu.memory_space<vmem>>
    %dma_wait3A_169 = tpu.memref_squeeze %dma_wait3A_168 : memref<1x64x256xf32, #tpu.memory_space<vmem>> -> memref<64x256xf32, #tpu.memory_space<vmem>>
    %dma_wait3A_170 = arith.constant 0 : i32
    %dma_wait3A_171 = arith.constant 0 : i32
    %dma_wait3A_172 = tpu.memref_slice %arg4[%dma_wait3A_170, %dma_wait3A_171] : memref<163840x256xf32, #tpu.memory_space<hbm>> -> memref<64x256xf32, #tpu.memory_space<hbm>>
    %dma_wait3A_173 = arith.constant 0 : i32
    %dma_wait3A_174 = arith.constant 0 : i32
    %dma_wait3A_175 = tpu.memref_slice %arg4[%dma_wait3A_173, %dma_wait3A_174] : memref<163840x256xf32, #tpu.memory_space<hbm>> -> memref<64x256xf32, #tpu.memory_space<hbm>>
    %dma_wait3A_176 = arith.constant 0 : i32
    %dma_wait3A_177 = arith.constant 0 : i32
    %dma_wait3A_178 = tpu.memref_slice %arg6[%dma_wait3A_165, %dma_wait3A_176, %dma_wait3A_177] : memref<6x64x256xf32, #tpu.memory_space<vmem>> -> memref<1x64x256xf32, #tpu.memory_space<vmem>>
    %dma_wait3A_179 = tpu.memref_squeeze %dma_wait3A_178 : memref<1x64x256xf32, #tpu.memory_space<vmem>> -> memref<64x256xf32, #tpu.memory_space<vmem>>
    tpu.wait_dma2 semaphore(%arg16 : memref<!tpu.dma_semaphore, #tpu.memory_space<semaphore_mem>>) src(%dma_wait3A_179 : memref<64x256xf32, #tpu.memory_space<vmem>>) dst(%dma_wait3A_175 : memref<64x256xf32, #tpu.memory_space<hbm>>)
    %dma_wait3A_180 = arith.constant 4 : i32
    %dma_wait3A_181 = arith.constant 0 : i32
    %dma_wait3A_182 = arith.constant 0 : i32
    %dma_wait3A_183 = tpu.memref_slice %arg6[%dma_wait3A_180, %dma_wait3A_181, %dma_wait3A_182] : memref<6x64x256xf32, #tpu.memory_space<vmem>> -> memref<1x64x256xf32, #tpu.memory_space<vmem>>
    %dma_wait3A_184 = tpu.memref_squeeze %dma_wait3A_183 : memref<1x64x256xf32, #tpu.memory_space<vmem>> -> memref<64x256xf32, #tpu.memory_space<vmem>>
    %dma_wait3A_185 = arith.constant 0 : i32
    %dma_wait3A_186 = arith.constant 0 : i32
    %dma_wait3A_187 = tpu.memref_slice %arg4[%dma_wait3A_185, %dma_wait3A_186] : memref<163840x256xf32, #tpu.memory_space<hbm>> -> memref<64x256xf32, #tpu.memory_space<hbm>>
    %dma_wait3A_188 = arith.constant 0 : i32
    %dma_wait3A_189 = arith.constant 0 : i32
    %dma_wait3A_190 = tpu.memref_slice %arg4[%dma_wait3A_188, %dma_wait3A_189] : memref<163840x256xf32, #tpu.memory_space<hbm>> -> memref<64x256xf32, #tpu.memory_space<hbm>>
    %dma_wait3A_191 = arith.constant 0 : i32
    %dma_wait3A_192 = arith.constant 0 : i32
    %dma_wait3A_193 = tpu.memref_slice %arg6[%dma_wait3A_180, %dma_wait3A_191, %dma_wait3A_192] : memref<6x64x256xf32, #tpu.memory_space<vmem>> -> memref<1x64x256xf32, #tpu.memory_space<vmem>>
    %dma_wait3A_194 = tpu.memref_squeeze %dma_wait3A_193 : memref<1x64x256xf32, #tpu.memory_space<vmem>> -> memref<64x256xf32, #tpu.memory_space<vmem>>
    tpu.wait_dma2 semaphore(%arg17 : memref<!tpu.dma_semaphore, #tpu.memory_space<semaphore_mem>>) src(%dma_wait3A_194 : memref<64x256xf32, #tpu.memory_space<vmem>>) dst(%dma_wait3A_190 : memref<64x256xf32, #tpu.memory_space<hbm>>)
    %dma_wait3A_195 = arith.constant 5 : i32
    %dma_wait3A_196 = arith.constant 0 : i32
    %dma_wait3A_197 = arith.constant 0 : i32
    %dma_wait3A_198 = tpu.memref_slice %arg6[%dma_wait3A_195, %dma_wait3A_196, %dma_wait3A_197] : memref<6x64x256xf32, #tpu.memory_space<vmem>> -> memref<1x64x256xf32, #tpu.memory_space<vmem>>
    %dma_wait3A_199 = tpu.memref_squeeze %dma_wait3A_198 : memref<1x64x256xf32, #tpu.memory_space<vmem>> -> memref<64x256xf32, #tpu.memory_space<vmem>>
    %dma_wait3A_200 = arith.constant 0 : i32
    %dma_wait3A_201 = arith.constant 0 : i32
    %dma_wait3A_202 = tpu.memref_slice %arg4[%dma_wait3A_200, %dma_wait3A_201] : memref<163840x256xf32, #tpu.memory_space<hbm>> -> memref<64x256xf32, #tpu.memory_space<hbm>>
    %dma_wait3A_203 = arith.constant 0 : i32
    %dma_wait3A_204 = arith.constant 0 : i32
    %dma_wait3A_205 = tpu.memref_slice %arg4[%dma_wait3A_203, %dma_wait3A_204] : memref<163840x256xf32, #tpu.memory_space<hbm>> -> memref<64x256xf32, #tpu.memory_space<hbm>>
    %dma_wait3A_206 = arith.constant 0 : i32
    %dma_wait3A_207 = arith.constant 0 : i32
    %dma_wait3A_208 = tpu.memref_slice %arg6[%dma_wait3A_195, %dma_wait3A_206, %dma_wait3A_207] : memref<6x64x256xf32, #tpu.memory_space<vmem>> -> memref<1x64x256xf32, #tpu.memory_space<vmem>>
    %dma_wait3A_209 = tpu.memref_squeeze %dma_wait3A_208 : memref<1x64x256xf32, #tpu.memory_space<vmem>> -> memref<64x256xf32, #tpu.memory_space<vmem>>
    tpu.wait_dma2 semaphore(%arg18 : memref<!tpu.dma_semaphore, #tpu.memory_space<semaphore_mem>>) src(%dma_wait3A_209 : memref<64x256xf32, #tpu.memory_space<vmem>>) dst(%dma_wait3A_205 : memref<64x256xf32, #tpu.memory_space<hbm>>)
    return
  }
}

module attributes {stable_mosaic.version = 14 : i64} {
  func.func @roll_k(%arg0: i32, %arg1: memref<1x2048x256xf32, #tpu.memory_space<vmem>>, %arg2: memref<1x2048x256xf32, #tpu.memory_space<vmem>>, %arg3: memref<1x2048x256xf32, #tpu.memory_space<vmem>>) attributes {dimension_semantics = [#tpu.dimension_semantics<arbitrary>], iteration_bounds = array<i64: 8>, scalar_prefetch = 0 : i64, scratch_operands = 0 : i64, tpu.core_type = #tpu.core_type<tc>, window_params = [{transform_indices = @transform_0, window_bounds = array<i64: 1, 2048, 256>}, {transform_indices = @transform_1, window_bounds = array<i64: 1, 2048, 256>}, {transform_indices = @transform_2, window_bounds = array<i64: 1, 2048, 256>}]} {
    %get3A = arith.constant 0 : index
    %get3A_0 = arith.constant 1 : index
    %get3A_1 = arith.constant 0 : index
    %get3A_2 = vector.load %arg1[%get3A, %get3A_0, %get3A_1] : memref<1x2048x256xf32, #tpu.memory_space<vmem>>, vector<1x2047x256xf32>
    %get3A_3 = vector.shape_cast %get3A_2 : vector<1x2047x256xf32> to vector<2047x256xf32>
    %swap3A = arith.constant 0 : index
    %swap3A_4 = arith.constant 0 : index
    %swap3A_5 = arith.constant 0 : index
    %swap3A_6 = vector.load %arg2[%swap3A, %swap3A_4, %swap3A_5] : memref<1x2048x256xf32, #tpu.memory_space<vmem>>, vector<1x2047x256xf32>
    %swap3A_7 = vector.shape_cast %swap3A_6 : vector<1x2047x256xf32> to vector<2047x256xf32>
    %swap3A_8 = vector.shape_cast %get3A_3 : vector<2047x256xf32> to vector<1x2047x256xf32>
    tpu.vector_store %arg2[%swap3A, %swap3A_4, %swap3A_5], %swap3A_8 {strides = array<i32>} : memref<1x2048x256xf32, #tpu.memory_space<vmem>>, vector<1x2047x256xf32>,
    %get3A_9 = arith.constant 0 : index
    %get3A_10 = arith.constant 0 : index
    %get3A_11 = arith.constant 0 : index
    %get3A_12 = vector.load %arg1[%get3A_9, %get3A_10, %get3A_11] : memref<1x2048x256xf32, #tpu.memory_space<vmem>>, vector<1x1x256xf32>
    %get3A_13 = vector.shape_cast %get3A_12 : vector<1x1x256xf32> to vector<1x256xf32>
    %swap3A_14 = arith.constant 0 : index
    %swap3A_15 = arith.constant 2047 : index
    %swap3A_16 = arith.constant 0 : index
    %swap3A_17 = vector.load %arg2[%swap3A_14, %swap3A_15, %swap3A_16] : memref<1x2048x256xf32, #tpu.memory_space<vmem>>, vector<1x1x256xf32>
    %swap3A_18 = vector.shape_cast %swap3A_17 : vector<1x1x256xf32> to vector<1x256xf32>
    %swap3A_19 = vector.shape_cast %get3A_13 : vector<1x256xf32> to vector<1x1x256xf32>
    tpu.vector_store %arg2[%swap3A_14, %swap3A_15, %swap3A_16], %swap3A_19 {strides = array<i32>} : memref<1x2048x256xf32, #tpu.memory_space<vmem>>, vector<1x1x256xf32>,
    %get3A_20 = arith.constant 0 : index
    %get3A_21 = arith.constant 0 : index
    %get3A_22 = arith.constant 0 : index
    %get3A_23 = vector.load %arg1[%get3A_20, %get3A_21, %get3A_22] : memref<1x2048x256xf32, #tpu.memory_space<vmem>>, vector<1x2048x256xf32>
    %get3A_24 = vector.shape_cast %get3A_23 : vector<1x2048x256xf32> to vector<2048x256xf32>
    %swap3A_25 = arith.constant 0 : index
    %swap3A_26 = arith.constant 0 : index
    %swap3A_27 = arith.constant 0 : index
    %swap3A_28 = vector.load %arg3[%swap3A_25, %swap3A_26, %swap3A_27] : memref<1x2048x256xf32, #tpu.memory_space<vmem>>, vector<1x2048x256xf32>
    %swap3A_29 = vector.shape_cast %swap3A_28 : vector<1x2048x256xf32> to vector<2048x256xf32>
    %swap3A_30 = vector.shape_cast %get3A_24 : vector<2048x256xf32> to vector<1x2048x256xf32>
    tpu.vector_store %arg3[%swap3A_25, %swap3A_26, %swap3A_27], %swap3A_30 {strides = array<i32>} : memref<1x2048x256xf32, #tpu.memory_space<vmem>>, vector<1x2048x256xf32>,
    return
  }
  func.func @transform_0(%arg0: i32) -> (i32, i32, i32) {
    %c0_i32 = arith.constant 0 : i32
    %c0_i32_0 = arith.constant 0 : i32
    %c0_i32_1 = arith.constant 0 : i32
    return %arg0, %c0_i32, %c0_i32_0 : i32, i32, i32
  }
  func.func @transform_1(%arg0: i32) -> (i32, i32, i32) {
    %c0_i32 = arith.constant 0 : i32
    %c0_i32_0 = arith.constant 0 : i32
    %c0_i32_1 = arith.constant 0 : i32
    return %arg0, %c0_i32, %c0_i32_0 : i32, i32, i32
  }
  func.func @transform_2(%arg0: i32) -> (i32, i32, i32) {
    %c0_i32 = arith.constant 0 : i32
    %c0_i32_0 = arith.constant 0 : i32
    %c0_i32_1 = arith.constant 0 : i32
    return %arg0, %c0_i32, %c0_i32_0 : i32, i32, i32
  }
}

</mosaic_0001>

<sc_bundles>
// kernel: kernel.4.cloned.1.call-start
scs
__scs_entry_jumppad:
0x0: {  	(pc) =	sbr.rel $0x88, $3  }
0x1: {  	(tag) =	ssettag $0x0;
	lr =	simm.s32 $0x1  }
0x2: {  	[smem:$0x3FA0] =	sst lr;
	_ =	strace $0xD0000000  }
0x3: {  	_ = 	snop  }
0x4: {  	_ = 	snop  }
0x5: {  	_ = 	snop  }
0x6: {  	_ = 	snop  }
0x7: {  	_ = 	snop  }
__scs_overlays_trampoline_lowered:
0x8: {  	[smem:$0x3FAF] =	sst s0  }
0x9: {  	[smem:$0x3FB0] =	sst s1  }
0xa: {  	[smem:$0x3FB1] =	sst s2  }
0xb: {  	[smem:$0x3FB2] =	sst s3  }
0xc: {  	[smem:$0x3FB3] =	sst s4  }
0xd: {  	[smem:$0x3FB4] =	sst s5  }
0xe: {  	[smem:$0x3FB5] =	sst s6  }
0xf: {  	[smem:$0x3FB6] =	sst s7  }
0x10: {  	[smem:$0x3FB7] =	sst s8  }
0x11: {  	[smem:$0x3FB8] =	sst s9;
	s0 =	simm.s32 @!p0 $0x0  }
0x12: {  	s1 =	sld [smem:$0x3F9E];
	s0 =	simm.s32 @p0 $0x1  }
0x13: {  	[smem:$0x3FB9] =	sst s0;
	s0 =	simm.s32 @!p1 $0x0  }
0x14: {  	s2 =	sld [smem:$0x3F9D];
	s0 =	simm.s32 @p1 $0x1  }
0x15: {  	[smem:$0x3FBA] =	sst s0;
	s0 =	simm.s32 @!p2 $0x0  }
0x16: {  	s3 =	sld [smem:$0x3FDB];
	s0 =	simm.s32 @p2 $0x1  }
0x17: {  	s4 =	simm.s32 $0x1BF5;
	[smem:$0x3FBC] =	sst s0  }
0x18: {  	s0 =	sld [smem:$0x3F9F];
	_ =	swait.ge [sflag:s4], $0x0  }
0x19: {  	s7 =	sld [smem:$0x3FA0]  }
0x1a: {  	s8 =	sadd.s32 $0xFFFFE003, lr  }
0x1b: {  	s9 =	sadd.s32 $0xFFFFFEF7, lr;
	s5 =	simm.s32 $0xFFFFFFFF;
	p2 =	slt.u32 s8, $0xFFFFF086  }
0x1c: {  	p1 =	slt.u32 s9, $0xF7A;
	s5 =	simm.s32 @!p2 $0x0  }
0x1d: {  	s5 =	simm.s32 @p1 $0x1;
	p0 =	seq.s32 s7, s2  }
0x1e: {  	s7 =	smul.u32 @!p0 $0xF7A, s2;
	p2 =	seq.s32 @!p0 s5, $0x0  }
0x1f: {  	s9 =	smul.u32 $0xF7A, s1;
	s8 =	simm.s32 @!p0 $0x1BF5;
	p2 =	por !p2, p0  }
0x20: {  	[sflag:s8] =	ssyncset.s32 @!p0 $0xFFFFF086;
	s6 =	sadd.s32 @!p0 s3, s7;
	s7 =	simm.s32 @!p0 $0x108  }
0x21: {  	s3 =	sadd.s32 s3, s9;
	s6 =	sadd.s32 @!p0 $0x88, s6;
	s7 =	simm.s32 @p2 $0x1082  }
0x22: {  	[simem:s7], [sflag:s8] =	dma.local @!p0 [hbm:s6], $0xF7A  }
0x23: {  	s9 =	sor.u32 $0xD0000000, s2;
	s6 =	simm.s32 $0x108;
	_ =	swait.ge @!p0 [sflag:s8], $0x0  }
0x24: {  	s3 =	sadd.s32 $0x88, s3;
	s6 =	simm.s32 @!p1 $0x1082;
	[sflag:s4] =	ssyncset.s32 $0xFFFFF086  }
0x25: {  	[simem:s6], [sflag:s4] =	dma.local [hbm:s3], $0xF7A  }
0x26: {  	[smem:$0x3FA0] =	sst s1;
	(tag) =	ssettag s2;
	_ =	strace s9  }
0x27: {  	s1 =	sld [smem:$0x3FB0]  }
0x28: {  	s2 =	sld [smem:$0x3FB1]  }
0x29: {  	s4 =	sld [smem:$0x3FB3]  }
0x2a: {  	p0 =	seq.s32 s5, $0x0;
	s5 =	sld [smem:$0x3FB4]  }
0x2b: {  	s6 =	sld [smem:$0x3FB5]  }
0x2c: {  	s7 =	sld [smem:$0x3FB6]  }
0x2d: {  	s3 =	simm.s32 $0x108;
	s8 =	sld [smem:$0x3FB7]  }
0x2e: {  	s3 =	simm.s32 @!p0 $0x1082;
	s9 =	sld [smem:$0x3FB8]  }
0x2f: {  	lr =	sadd.s32 s0, s3;
	s0 =	sld [smem:$0x3FAF]  }
0x30: {  	s3 =	sld [smem:$0x3FB2]  }
0x31: {  	[smem:$0x3FBB] =	sst s10  }
0x32: {  	s10 =	sld [smem:$0x3FB9];
	_ =	sdelay $0x3  }
0x33: {  	p0 =	seq.s32 s10, $0x1;
	s10 =	sld [smem:$0x3FBB];
	_ =	sdelay $0x3  }
0x34: {  	[smem:$0x3FBB] =	sst s10  }
0x35: {  	s10 =	sld [smem:$0x3FBA];
	_ =	sdelay $0x3  }
0x36: {  	p1 =	seq.s32 s10, $0x1;
	s10 =	sld [smem:$0x3FBB];
	_ =	sdelay $0x3  }
0x37: {  	[smem:$0x3FBB] =	sst s10  }
0x38: {  	s10 =	sld [smem:$0x3FBC]  }
0x39: {  	_ = 	snop;
	(pc) =	sbr.ind lr, $3  }
0x3a: {  	_ = 	snop  }
0x3b: {  	_ = 	snop  }
0x3c: {  	p2 =	seq.s32 s10, $0x1;
	s10 =	sld [smem:$0x3FBB]  }
0x3d: {  	_ =	shalt  }
0x3e: {  	_ =	shalt  }
0x3f: {  	_ =	shalt  }
0x40: {  	_ =	shalt  }
0x41: {  	_ =	shalt  }
0x42: {  	_ =	shalt  }
0x43: {  	_ =	shalt  }
0x44: {  	_ =	shalt  }
0x45: {  	_ =	shalt  }
0x46: {  	_ =	shalt  }
0x47: {  	_ =	shalt  }
0x48: {  	_ =	shalt  }
0x49: {  	_ =	shalt  }
0x4a: {  	_ =	shalt  }
0x4b: {  	_ =	shalt  }
0x4c: {  	_ =	shalt  }
0x4d: {  	_ =	shalt  }
0x4e: {  	_ =	shalt  }
0x4f: {  	_ =	shalt  }
0x50: {  	_ =	shalt  }
0x51: {  	_ =	shalt  }
0x52: {  	_ =	shalt  }
0x53: {  	_ =	shalt  }
0x54: {  	_ =	shalt  }
0x55: {  	_ =	shalt  }
0x56: {  	_ =	shalt  }
0x57: {  	_ =	shalt  }
0x58: {  	_ =	shalt  }
0x59: {  	_ =	shalt  }
0x5a: {  	_ =	shalt  }
0x5b: {  	_ =	shalt  }
0x5c: {  	_ =	shalt  }
0x5d: {  	_ =	shalt  }
0x5e: {  	_ =	shalt  }
0x5f: {  	_ =	shalt  }
0x60: {  	_ =	shalt  }
0x61: {  	_ =	shalt  }
0x62: {  	_ =	shalt  }
0x63: {  	_ =	shalt  }
0x64: {  	_ =	shalt  }
0x65: {  	_ =	shalt  }
0x66: {  	_ =	shalt  }
0x67: {  	_ =	shalt  }
0x68: {  	_ =	shalt  }
0x69: {  	_ =	shalt  }
0x6a: {  	_ =	shalt  }
0x6b: {  	_ =	shalt  }
0x6c: {  	_ =	shalt  }
0x6d: {  	_ =	shalt  }
0x6e: {  	_ =	shalt  }
0x6f: {  	_ =	shalt  }
0x70: {  	_ =	shalt  }
0x71: {  	_ =	shalt  }
0x72: {  	_ =	shalt  }
0x73: {  	_ =	shalt  }
0x74: {  	_ =	shalt  }
0x75: {  	_ =	shalt  }
0x76: {  	_ =	shalt  }
0x77: {  	_ =	shalt  }
0x78: {  	_ =	shalt  }
0x79: {  	_ =	shalt  }
0x7a: {  	_ =	shalt  }
0x7b: {  	_ =	shalt  }
0x7c: {  	_ =	shalt  }
0x7d: {  	_ =	shalt  }
0x7e: {  	_ =	shalt  }
0x7f: {  	_ =	shalt  }
0x80: {  	_ =	shalt  }
0x81: {  	_ =	shalt  }
0x82: {  	_ =	shalt  }
0x83: {  	_ =	shalt  }
0x84: {  	_ =	shalt  }
0x85: {  	_ =	shalt  }
0x86: {  	_ =	shalt  }
0x87: {  	_ =	shalt  }
.Lfunc_end0:
.L_simem_size_0:
called_computation_lowered:
.L_overlay_start_0:
0x88: {  	s2 =	sld [smem:$0x3FD9]  }
0x89: {  	s3 =	sld [smem:$0x3FFE];
	_ =	sdelay $0x1  }
0x8a: {  	s1 =	srdreg.scid  }
0x8b: {  	s0 =	sand.u32 $0x1, s1  }
0x8c: {  	s14 =	sshll.u32 s0, $0xA;
	s2 =	sadd.s32 s3, s2  }
0x8d: {  	s2 =	sadd.s32 s2, s14  }
0x8e: {  	[smem:$0x3FC7] =	sst s2  }
0x8f: {  	_ = 	snop  }
0x90: {  	s2 =	sld [smem:$0x3FD0];
	_ =	sdelay $0x2  }
0x91: {  	s4 =	simm.s32 $0xA;
	s5 =	simm.s32 $0x10;
	s15 =	sld [smem:$0x3FC9]  }
0x92: {  	[smem:s5], [sflag:s4] =	dma.local [hbm:s2], $0x1  }
0x93: {  	_ =	swait.eq [sflag:s4], $0x1  }
0x94: {  	[sflag:s4] =	ssyncset.done $0x0  }
0x95: {  	[sflag:s4] =	ssyncadd.s32 $0xFFFFFFFF  }
0x96: {  	s16 =	sld [smem:$0x12];
	(tm) =	ssettm $0x1  }
0x97: {  	s17 =	sld [smem:$0x3FFB];
	_ =	sdelay $0x3  }
0x98: {  	_ =	strace s17  }
0x99: {  	s4 =	sld [smem:$0x3FFC];
	_ =	sdelay $0x3  }
0x9a: {  	_ =	strace s4  }
0x9b: {  	s4 =	sld [smem:$0x3FFD];
	_ =	sdelay $0x3  }
0x9c: {  	_ =	strace s4  }
0x9d: {  	_ =	strace $0x8FFFFFFF  }
0x9e: {  	s18 =	sld [smem:$0x3FDB];
	_ =	sdelay $0x1  }
0x9f: {  	s19 =	simm.s32 $_scs_section_size  }
0xa0: {  	s6 =	simm.s32 $_size__tile_overlayer_lowered;
	s7 =	simm.s32 $_tile_overlayer_lowered  }
0xa1: {  	s22 =	simm.s32 $0x1BFF;
	s21 =	sshll.u32 s7, $0x1;
	s4 =	sadd.s32 s19, s18  }
0xa2: {  	s8 =	simm.s32 $0x0;
	s20 =	sshll.u32 s6, $0x1;
	s6 =	sadd.s32 s21, s4  }
0xa3: {  	[timem:s8], [sflag:s22] =	dma.local [hbm:s6], s20  }
0xa4: {  	_ =	swait.ge [sflag:s22], s20  }
0xa5: {  	s5 =	ssub.s32 $0x0, s20;
	[sflag:s22] =	ssyncset.done $0x0  }
0xa6: {  	[sflag:s22] =	ssyncadd.s32 s5;
	_ =	sdelay $0x1  }
0xa7: {  	s23 =	simm.s32 $0x1B8B  }
0xa8: {  	_ =	swait.ge [sflag:s23], $0x1  }
0xa9: {  	[sflag:s23] =	ssyncset.done $0x0  }
0xaa: {  	s25 =	simm.s32 $0x1B8E;
	s24 =	sld [smem:$0x3FFE];
	[sflag:s23] =	ssyncadd.s32 $0xFFFFFFFF  }
0xab: {  	s26 =	simm.s32 $execute0_lowered;
	[smem:$0x3FD2] =	sst s25  }
0xac: {  	s6 =	sshll.u32 s26, $0x1;
	_ =	strace $0x80000046;
	[dreg:$0x1] =	wrdreg $0xFFFFFFFF  }
0xad: {  	s28 =	simm.s32 $_size_execute0_lowered;
	s4 =	sadd.s32 s4, s6;
	[dreg:$0x0] =	wrdreg $0x0  }
0xae: {  	s6 =	sshll.u32 s28, $0x1;
	[dreg:$0x2] =	wrdreg s4  }
0xaf: {  	[dreg:$0x3] =	wrdreg s6  }
0xb0: {  	[dreg:$0x4] =	wrdreg $0xC0  }
0xb1: {  	_ =	task [dreg:s8], $0x5FFFF  }
0xb2: {  	[dreg:$0x1] =	wrdreg $0xFFFFFFFF  }
0xb3: {  	[dreg:$0x0] =	wrdreg $0x60  }
0xb4: {  	[dreg:$0x2] =	wrdreg s15  }
0xb5: {  	[dreg:$0x3] =	wrdreg s24  }
0xb6: {  	[dreg:$0x4] =	wrdreg s16  }
0xb7: {  	[dreg:$0x5] =	wrdreg $0x9  }
0xb8: {  	_ =	task.clear_ibuf [dreg:s8], $0x6FFFF;
	_ =	strace $0x90000046  }
0xb9: {  	s29 =	simm.s32 $0x9;
	_ =	strace $0x80000048  }
0xba: {  	_ =	swait.ge [sflag:s29], $0x1  }
0xbb: {  	[sflag:s29] =	ssyncadd.s32 $0xFFFFFFFF  }
0xbc: {  	_ =	strace $0x90000048  }
0xbd: {  	_ =	sfence  }
0xbe: {  	s30 =	sld [smem:$0x0];
	_ =	sdelay $0x2  }
0xbf: {  	s31 =	sshll.u32 s1, $0xD;
	s1 =	sshrl.u32 s1, $0x2  }
0xc0: {  	s3 =	sand.u32 $0x4000, s31;
	s1 =	sadd.s32 s1, s30  }
0xc1: {  	s0 =	sor.u32 s3, s0;
	s1 =	sshll.u32 s1, $0x11  }
0xc2: {  	s0 =	sor.u32 s1, s0  }
0xc3: {  	s0 =	sadd.s32 $0x8F2B, s0  }
0xc4: {  	[sflag:s0] =	ssyncadd.remote.s32 $0x1  }
0xc5: {  	_ =	sfence.sel $0xFFFF  }
0xc6: {  	[dreg:$0x0] =	wrdreg $0xFFFFFFFF;
	(pc) =	sbr.abs _section_cstart, $3  }
0xc7: {  	[dreg:$0x1] =	wrdreg $0xFFFFFFFF  }
0xc8: {  	_ =	task.clear_ibuf [dreg:s8], $0x2FFFF;
	_ =	strace $0x9FFFFFFF  }
0xc9: {  	(tm) =	ssettm $0x7FFFFFFF  }
tec
execute0_lowered:
.L_overlay_start_1:
0x0: {  	(tag) =	ssettag $0x1  }
0x1: {  	s1 =	rddreg [dreg:$0x0]  }
0x2: {  	s0 =	rddreg [dreg:$0x1]  }
0x3: {  	s2 =	rddreg [dreg:$0x2]  }
0x4: {  	s4 =	srdreg.scid;
	s8 =	stileid.u32;
	s3 =	simm.s32 $0x0  }
0x5: {  	s16 =	simm.s32 $0xB000;
	s17 =	simm.s32 $0xB800;
	s19 =	simm.s32 $0xC000  }
0x6: {  	s20 =	simm.s32 $0xC800;
	s22 =	simm.s32 $0xD000;
	s23 =	simm.s32 $0xD800  }
0x7: {  	s28 =	simm.s32 $0x12800;
	s29 =	simm.s32 $0x16800;
	[smem:$0x7FF] =	sst s3  }
0x8: {  	s30 =	simm.s32 $0x1;
	_ =	strace $0x80000047;
	[dreg:$0xa] =	wrdreg s16  }
0x9: {  	s4 =	sand.u32 $0x1, s4;
	s5 =	smul.u32 $0x280000, s8;
	[dreg:$0xb] =	wrdreg s17  }
0xa: {  	s7 =	sshll.u32 s8, $0x1;
	s8 =	smul.u32 $0x50000, s8;
	[dreg:$0xc] =	wrdreg s19  }
0xb: {  	s31 =	simm.s32 $0x2;
	s6 =	smul.u32 $0x140000, s4;
	[dreg:$0xd] =	wrdreg s20  }
0xc: {  	s7 =	sor.u32 s4, s7;
	s9 =	smul.u32 $0x28000, s4;
	[dreg:$0xe] =	wrdreg s22  }
0xd: {  	s4 =	ssub.s32 $0x2, s4;
	[dreg:$0xf] =	wrdreg s23;
	s16 =	simm.s32 $0x14800  }
0xe: {  	s17 =	simm.s32 $0x15000;
	s19 =	simm.s32 $0x16000;
	s20 =	simm.s32 $0x17000  }
0xf: {  	s22 =	simm.s32 $0x18000;
	s23 =	simm.s32 $0x18800;
	[dreg:$0x1b] =	wrdreg s16  }
0x10: {  	s24 =	smul.u32 $0x500, s7;
	s8 =	sadd.s32 s8, s2;
	[dreg:$0x1c] =	wrdreg s17  }
0x11: {  	s18 =	sshrl.u32 s4, $0x1;
	s21 =	smul.u32 $0x140000, s7;
	[dreg:$0x1e] =	wrdreg s19  }
0x12: {  	s7 =	simm.s32 $0x10000;
	s16 =	simm.s32 $0x6000;
	[dreg:$0x1f] =	wrdreg s20  }
0x13: {  	s17 =	simm.s32 $0x6800;
	s19 =	simm.s32 $0x7800;
	[smem:$0x7F9] =	sst s22  }
0x14: {  	s20 =	simm.s32 $0x8000;
	s22 =	simm.s32 $0x9000;
	[smem:$0x7FA] =	sst s23  }
0x15: {  	s5 =	sadd.s32 s6, s5;
	s8 =	sadd.s32 s9, s8;
	s4 =	ssub.s32 s4, s18  }
0x16: {  	s6 =	simm.s32 $0xF800;
	[dreg:$0x13] =	wrdreg s7;
	s18 =	simm.s32 $0x15800  }
0x17: {  	s10 =	sor.u32 $0x8000, s5;
	s26 =	sor.u32 $0xC000, s5;
	[dreg:$0x4] =	wrdreg s8  }
0x18: {  	s12 =	sor.u32 $0x10000, s5;
	s0 =	sadd.s32 s24, s0;
	[dreg:$0x12] =	wrdreg s6  }
0x19: {  	s24 =	sshrl.u32 s21, $0x3;
	[dreg:$0x1d] =	wrdreg s18;
	s21 =	simm.s32 $0x17800  }
0x1a: {  	s25 =	sshrl.u32 s10, $0x3;
	s0 =	sadd.s32 $0x800, s0;
	[smem:$0x7F8] =	sst s21  }
0x1b: {  	s10 =	sshrl.u32 s26, $0x3;
	s26 =	simm.s32 $0xF000;
	[smem:$0x7F4] =	sst s0  }
0x1c: {  	s13 =	sshrl.u32 s12, $0x3;
	s12 =	simm.s32 $0x12000;
	[dreg:$0x11] =	wrdreg s26  }
0x1d: {  	s14 =	sor.u32 $0x4000, s5;
	s9 =	sadd.s32 s25, s2;
	[dreg:$0x17] =	wrdreg s12  }
0x1e: {  	s5 =	sor.u32 $0x14000, s5;
	s11 =	sadd.s32 s10, s2;
	[dreg:$0x5] =	wrdreg s9  }
0x1f: {  	s5 =	sshrl.u32 s5, $0x3;
	s8 =	sadd.s32 s13, s2;
	[dreg:$0x6] =	wrdreg s11  }
0x20: {  	s23 =	simm.s32 $0x9800;
	s5 =	sadd.s32 s5, s2;
	[dreg:$0x7] =	wrdreg s8  }
0x21: {  	s18 =	simm.s32 $0x7000;
	s25 =	simm.s32 $0xE000;
	[dreg:$0x9] =	wrdreg s5  }
0x22: {  	s21 =	simm.s32 $0x8800;
	s10 =	simm.s32 $0x11000;
	[dreg:$0x10] =	wrdreg s25  }
0x23: {  	s13 =	simm.s32 $0x13000;
	s12 =	simm.s32 $0x4000;
	[dreg:$0x15] =	wrdreg s10  }
0x24: {  	s26 =	simm.s32 $0x1A000;
	s0 =	simm.s32 $0x3;
	[dreg:$0x18] =	wrdreg s13  }
0x25: {  	s9 =	sshrl.u32 s14, $0x3;
	s8 =	smax.u32 s4, $0x1;
	[smem:$0x7FD] =	sst s26  }
0x26: {  	s11 =	simm.s32 $0x11800;
	s10 =	simm.s32 $0x3000;
	[smem:$0x7F7] =	sst s8  }
0x27: {  	s14 =	simm.s32 $0x13800;
	s13 =	simm.s32 $0x4800;
	[dreg:$0x16] =	wrdreg s11  }
0x28: {  	s25 =	simm.s32 $0x19800;
	s26 =	simm.s32 $0xE800;
	[dreg:$0x19] =	wrdreg s14  }
0x29: {  	s4 =	simm.s32 $0x5;
	s15 =	sadd.s32 s9, s2;
	[smem:$0x7FC] =	sst s25  }
0x2a: {  	s2 =	sadd.s32 s2, s24;
	s9 =	simm.s32 $0x10800;
	[dreg:$0x8] =	wrdreg s15  }
0x2b: {  	s11 =	simm.s32 $0x3800;
	s24 =	simm.s32 $0x19000;
	[dreg:$0x14] =	wrdreg s9  }
0x2c: {  	s14 =	simm.s32 $0x5000;
	s5 =	sadd.s32 $0x27000, s2;
	[smem:$0x7FB] =	sst s24  }
0x2d: {  	s25 =	simm.s32 $0xA800;
	s2 =	sadd.s32 $0x27800, s2;
	[smem:$0x7F5] =	sst s5  }
0x2e: {  	v2 =	vlaneseq.u32;
	s8 =	simm.s32 $0x0;
	s15 =	simm.s32 $0x14000;
	[smem:$0x7F6] =	sst s2  }
0x2f: {  	vm0 =	vmmov $0xffff;
	v1 =	vshrl.u32 v2, $0x3;
	s9 =	simm.s32 $0x2800;
	s24 =	simm.s32 $0xA000;
	[dreg:$0x1a] =	wrdreg s15  }
0x30: {  	v0 =	vand.u32 $0x7, v2;
	v2 =	vor.u32 $0x8, v2;
	v1 =	vmul.u32 $0x8, v1;
	s15 =	simm.s32 $0x5800;
	s2 =	simm.s32 $0x4;
	s5 =	simm.s32 $0x6  }
.LBB2_1:
0x31: {  	s6 =	sld [smem:$0x7F4];
	_ =	sdelay $0x1  }
0x32: {  	[smem:$0x7F3] =	sst s8;
	s8 =	simm.s32 $0xD  }
0x33: {  	[tilespmem:s3], [sflag:$0xD] =	stream.linear.gather [hbm4b:s6+s3], $0x2800, $0x38;
	[tilespmem:$0x1A800] =	vst v63  }
0x34: {  	_ =	swait.ge [sflag:s8], $0x2800  }
0x35: {  	[sflag:s8] =	ssyncset.done $0x0  }
0x36: {  	s7 =	simm.s32 $0x0;
	s6 =	simm.s32 $0x180;
	[sflag:s8] =	ssyncadd.s32 $0xFFFFD800  }
.LBB2_2:
0x37: {  	p0 =	seq.s32 s7, $0x0  }
0x38: {  	s8 =	simm.s32 @!p0 $0x7  }
0x39: {  	_ =	swait.ge @!p0 [sflag:s8], $0x4000  }
0x3a: {  	[sflag:s8] =	ssyncset.done @!p0 $0x0  }
0x3b: {  	[sflag:s8] =	ssyncadd.s32 @!p0 $0xFFFFC000  }
0x3c: {  	v3 =	vld [tilespmem:s6+$0xFFFFFE80];
	_ =	sdelay $0x4  }
0x3d: {  	v4 =	vshll.u32 v3, $0x1  }
0x3e: {  	v3 =	vand.u32 $0x7, v3;
	v4 =	vand.u32 $0xFFFFFFF0, v4  }
0x3f: {  	v3 =	vor.u32 v3, v4  }
0x40: {  	v4 =	vperm.xlane v3, v0;
	_ =	sdelay $0x1  }
0x41: {  	v3 =	vperm.xlane v3, v2;
	v4 =	vadd.s32 v1, v4;
	_ =	sdelay $0x1  }
0x42: {  	v3 =	vadd.s32 v1, v3;
	_ =	sdelay $0x2  }
0x43: {  	[tilespmem:s9], [sflag:$0x1] =	stream.indirect_vreg.gather [hbm4b:s1+s3], $0x80, v4, vm0, $0xb8;
	[tilespmem:$0x1A800] =	vst v63  }
0x44: {  	_ = 	snop  }
0x45: {  	[tilespmem:s10], [sflag:$0x1] =	stream.indirect_vreg.gather [hbm4b:s1+s3], $0x80, v3, vm0, $0xb8;
	[tilespmem:$0x1A800] =	vst v63  }
0x46: {  	v3 =	vld [tilespmem:s6+$0xFFFFFE90];
	_ =	sdelay $0x4  }
0x47: {  	v41 =	vshll.u32 v3, $0x1  }
0x48: {  	v3 =	vand.u32 $0x7, v3;
	v4 =	vand.u32 $0xFFFFFFF0, v41  }
0x49: {  	v3 =	vor.u32 v3, v4  }
0x4a: {  	v4 =	vperm.xlane v3, v0;
	_ =	sdelay $0x1  }
0x4b: {  	v3 =	vperm.xlane v3, v2;
	v4 =	vadd.s32 v1, v4;
	_ =	sdelay $0x1  }
0x4c: {  	v3 =	vadd.s32 v1, v3;
	_ =	sdelay $0x2  }
0x4d: {  	[tilespmem:s11], [sflag:$0x1] =	stream.indirect_vreg.gather [hbm4b:s1+s3], $0x80, v4, vm0, $0xb8;
	[tilespmem:$0x1A800] =	vst v63  }
0x4e: {  	_ = 	snop  }
0x4f: {  	[tilespmem:s12], [sflag:$0x1] =	stream.indirect_vreg.gather [hbm4b:s1+s3], $0x80, v3, vm0, $0xb8;
	[tilespmem:$0x1A800] =	vst v63  }
0x50: {  	v3 =	vld [tilespmem:s6+$0xFFFFFEA0];
	_ =	sdelay $0x4  }
0x51: {  	v42 =	vshll.u32 v3, $0x1  }
0x52: {  	v3 =	vand.u32 $0x7, v3;
	v4 =	vand.u32 $0xFFFFFFF0, v42  }
0x53: {  	v3 =	vor.u32 v3, v4  }
0x54: {  	v4 =	vperm.xlane v3, v0;
	_ =	sdelay $0x1  }
0x55: {  	v3 =	vperm.xlane v3, v2;
	v4 =	vadd.s32 v1, v4;
	_ =	sdelay $0x1  }
0x56: {  	v3 =	vadd.s32 v1, v3;
	_ =	sdelay $0x2  }
0x57: {  	[tilespmem:s13], [sflag:$0x1] =	stream.indirect_vreg.gather [hbm4b:s1+s3], $0x80, v4, vm0, $0xb8;
	[tilespmem:$0x1A800] =	vst v63  }
0x58: {  	_ = 	snop  }
0x59: {  	[tilespmem:s14], [sflag:$0x1] =	stream.indirect_vreg.gather [hbm4b:s1+s3], $0x80, v3, vm0, $0xb8;
	[tilespmem:$0x1A800] =	vst v63  }
0x5a: {  	v3 =	vld [tilespmem:s6+$0xFFFFFEB0];
	_ =	sdelay $0x4  }
0x5b: {  	v43 =	vshll.u32 v3, $0x1  }
0x5c: {  	v3 =	vand.u32 $0x7, v3;
	v4 =	vand.u32 $0xFFFFFFF0, v43  }
0x5d: {  	v3 =	vor.u32 v3, v4  }
0x5e: {  	v4 =	vperm.xlane v3, v0;
	_ =	sdelay $0x1  }
0x5f: {  	v3 =	vperm.xlane v3, v2;
	v4 =	vadd.s32 v1, v4;
	_ =	sdelay $0x1  }
0x60: {  	v3 =	vadd.s32 v1, v3;
	_ =	sdelay $0x2  }
0x61: {  	[tilespmem:s15], [sflag:$0x1] =	stream.indirect_vreg.gather [hbm4b:s1+s3], $0x80, v4, vm0, $0xb8;
	[tilespmem:$0x1A800] =	vst v63  }
0x62: {  	s8 =	simm.s32 @!p0 $0x8  }
0x63: {  	[tilespmem:s16], [sflag:$0x1] =	stream.indirect_vreg.gather [hbm4b:s1+s3], $0x80, v3, vm0, $0xb8;
	[tilespmem:$0x1A800] =	vst v63  }
0x64: {  	_ =	swait.ge @!p0 [sflag:s8], $0x4000  }
0x65: {  	[sflag:s8] =	ssyncset.done @!p0 $0x0  }
0x66: {  	[sflag:s8] =	ssyncadd.s32 @!p0 $0xFFFFC000  }
0x67: {  	v3 =	vld [tilespmem:s6+$0xFFFFFF00];
	_ =	sdelay $0x4  }
0x68: {  	v44 =	vshll.u32 v3, $0x1  }
0x69: {  	v3 =	vand.u32 $0x7, v3;
	v4 =	vand.u32 $0xFFFFFFF0, v44  }
0x6a: {  	v3 =	vor.u32 v3, v4  }
0x6b: {  	v4 =	vperm.xlane v3, v0;
	_ =	sdelay $0x1  }
0x6c: {  	v3 =	vperm.xlane v3, v2;
	v4 =	vadd.s32 v1, v4;
	_ =	sdelay $0x1  }
0x6d: {  	v3 =	vadd.s32 v1, v3;
	_ =	sdelay $0x2  }
0x6e: {  	[tilespmem:s17], [sflag:$0x2] =	stream.indirect_vreg.gather [hbm4b:s1+s3], $0x80, v4, vm0, $0xb8;
	[tilespmem:$0x1A800] =	vst v63  }
0x6f: {  	_ = 	snop  }
0x70: {  	[tilespmem:s18], [sflag:$0x2] =	stream.indirect_vreg.gather [hbm4b:s1+s3], $0x80, v3, vm0, $0xb8;
	[tilespmem:$0x1A800] =	vst v63  }
0x71: {  	v3 =	vld [tilespmem:s6+$0xFFFFFF10];
	_ =	sdelay $0x4  }
0x72: {  	v45 =	vshll.u32 v3, $0x1  }
0x73: {  	v3 =	vand.u32 $0x7, v3;
	v4 =	vand.u32 $0xFFFFFFF0, v45  }
0x74: {  	v3 =	vor.u32 v3, v4  }
0x75: {  	v4 =	vperm.xlane v3, v0;
	_ =	sdelay $0x1  }
0x76: {  	v3 =	vperm.xlane v3, v2;
	v4 =	vadd.s32 v1, v4;
	_ =	sdelay $0x1  }
0x77: {  	v3 =	vadd.s32 v1, v3;
	_ =	sdelay $0x2  }
0x78: {  	[tilespmem:s19], [sflag:$0x2] =	stream.indirect_vreg.gather [hbm4b:s1+s3], $0x80, v4, vm0, $0xb8;
	[tilespmem:$0x1A800] =	vst v63  }
0x79: {  	_ = 	snop  }
0x7a: {  	[tilespmem:s20], [sflag:$0x2] =	stream.indirect_vreg.gather [hbm4b:s1+s3], $0x80, v3, vm0, $0xb8;
	[tilespmem:$0x1A800] =	vst v63  }
0x7b: {  	v3 =	vld [tilespmem:s6+$0xFFFFFF20];
	_ =	sdelay $0x4  }
0x7c: {  	v46 =	vshll.u32 v3, $0x1  }
0x7d: {  	v3 =	vand.u32 $0x7, v3;
	v4 =	vand.u32 $0xFFFFFFF0, v46  }
0x7e: {  	v3 =	vor.u32 v3, v4  }
0x7f: {  	v4 =	vperm.xlane v3, v0;
	_ =	sdelay $0x1  }
0x80: {  	v3 =	vperm.xlane v3, v2;
	v4 =	vadd.s32 v1, v4;
	_ =	sdelay $0x1  }
0x81: {  	v3 =	vadd.s32 v1, v3;
	_ =	sdelay $0x2  }
0x82: {  	[tilespmem:s21], [sflag:$0x2] =	stream.indirect_vreg.gather [hbm4b:s1+s3], $0x80, v4, vm0, $0xb8;
	[tilespmem:$0x1A800] =	vst v63  }
0x83: {  	_ = 	snop  }
0x84: {  	[tilespmem:s22], [sflag:$0x2] =	stream.indirect_vreg.gather [hbm4b:s1+s3], $0x80, v3, vm0, $0xb8;
	[tilespmem:$0x1A800] =	vst v63  }
0x85: {  	v3 =	vld [tilespmem:s6+$0xFFFFFF30];
	_ =	sdelay $0x4  }
0x86: {  	v47 =	vshll.u32 v3, $0x1  }
0x87: {  	v3 =	vand.u32 $0x7, v3;
	v4 =	vand.u32 $0xFFFFFFF0, v47  }
0x88: {  	v3 =	vor.u32 v3, v4  }
0x89: {  	v4 =	vperm.xlane v3, v0;
	_ =	sdelay $0x1  }
0x8a: {  	v3 =	vperm.xlane v3, v2;
	v4 =	vadd.s32 v1, v4;
	_ =	sdelay $0x1  }
0x8b: {  	v3 =	vadd.s32 v1, v3;
	_ =	sdelay $0x2  }
0x8c: {  	[tilespmem:s23], [sflag:$0x2] =	stream.indirect_vreg.gather [hbm4b:s1+s3], $0x80, v4, vm0, $0xb8;
	[tilespmem:$0x1A800] =	vst v63  }
0x8d: {  	s8 =	simm.s32 @!p0 $0x9  }
0x8e: {  	[tilespmem:s24], [sflag:$0x2] =	stream.indirect_vreg.gather [hbm4b:s1+s3], $0x80, v3, vm0, $0xb8;
	[tilespmem:$0x1A800] =	vst v63  }
0x8f: {  	_ =	swait.ge @!p0 [sflag:s8], $0x4000  }
0x90: {  	[sflag:s8] =	ssyncset.done @!p0 $0x0  }
0x91: {  	[sflag:s8] =	ssyncadd.s32 @!p0 $0xFFFFC000  }
0x92: {  	v3 =	vld [tilespmem:s6+$0xFFFFFF80];
	_ =	sdelay $0x4  }
0x93: {  	v48 =	vshll.u32 v3, $0x1  }
0x94: {  	v3 =	vand.u32 $0x7, v3;
	v4 =	vand.u32 $0xFFFFFFF0, v48  }
0x95: {  	v3 =	vor.u32 v3, v4  }
0x96: {  	v4 =	vperm.xlane v3, v0;
	_ =	sdelay $0x1  }
0x97: {  	v3 =	vperm.xlane v3, v2;
	v4 =	vadd.s32 v1, v4;
	_ =	sdelay $0x1  }
0x98: {  	v3 =	vadd.s32 v1, v3;
	_ =	sdelay $0x2  }
0x99: {  	[tilespmem:s25], [sflag:$0x3] =	stream.indirect_vreg.gather [hbm4b:s1+s3], $0x80, v4, vm0, $0xb8;
	[tilespmem:$0x1A800] =	vst v63  }
0x9a: {  	s10 =	rddreg [dreg:$0xa]  }
0x9b: {  	[tilespmem:s10], [sflag:$0x3] =	stream.indirect_vreg.gather [hbm4b:s1+s3], $0x80, v3, vm0, $0xb8;
	[tilespmem:$0x1A800] =	vst v63  }
0x9c: {  	v3 =	vld [tilespmem:s6+$0xFFFFFF90];
	_ =	sdelay $0x4  }
0x9d: {  	v49 =	vshll.u32 v3, $0x1  }
0x9e: {  	v3 =	vand.u32 $0x7, v3;
	v4 =	vand.u32 $0xFFFFFFF0, v49  }
0x9f: {  	v3 =	vor.u32 v3, v4  }
0xa0: {  	v4 =	vperm.xlane v3, v0;
	_ =	sdelay $0x1  }
0xa1: {  	v3 =	vperm.xlane v3, v2;
	v4 =	vadd.s32 v1, v4;
	_ =	sdelay $0x1  }
0xa2: {  	v3 =	vadd.s32 v1, v3;
	_ =	sdelay $0x1  }
0xa3: {  	s8 =	rddreg [dreg:$0xb]  }
0xa4: {  	[tilespmem:s8], [sflag:$0x3] =	stream.indirect_vreg.gather [hbm4b:s1+s3], $0x80, v4, vm0, $0xb8;
	[tilespmem:$0x1A800] =	vst v63  }
0xa5: {  	s10 =	rddreg [dreg:$0xc]  }
0xa6: {  	[tilespmem:s10], [sflag:$0x3] =	stream.indirect_vreg.gather [hbm4b:s1+s3], $0x80, v3, vm0, $0xb8;
	[tilespmem:$0x1A800] =	vst v63  }
0xa7: {  	v3 =	vld [tilespmem:s6+$0xFFFFFFA0];
	_ =	sdelay $0x4  }
0xa8: {  	v50 =	vshll.u32 v3, $0x1  }
0xa9: {  	v3 =	vand.u32 $0x7, v3;
	v4 =	vand.u32 $0xFFFFFFF0, v50  }
0xaa: {  	v3 =	vor.u32 v3, v4  }
0xab: {  	v4 =	vperm.xlane v3, v0;
	_ =	sdelay $0x1  }
0xac: {  	v3 =	vperm.xlane v3, v2;
	v4 =	vadd.s32 v1, v4;
	_ =	sdelay $0x1  }
0xad: {  	v3 =	vadd.s32 v1, v3;
	_ =	sdelay $0x1  }
0xae: {  	s8 =	rddreg [dreg:$0xd]  }
0xaf: {  	[tilespmem:s8], [sflag:$0x3] =	stream.indirect_vreg.gather [hbm4b:s1+s3], $0x80, v4, vm0, $0xb8;
	[tilespmem:$0x1A800] =	vst v63  }
0xb0: {  	s10 =	rddreg [dreg:$0xe]  }
0xb1: {  	[tilespmem:s10], [sflag:$0x3] =	stream.indirect_vreg.gather [hbm4b:s1+s3], $0x80, v3, vm0, $0xb8;
	[tilespmem:$0x1A800] =	vst v63  }
0xb2: {  	v3 =	vld [tilespmem:s6+$0xFFFFFFB0];
	_ =	sdelay $0x4  }
0xb3: {  	v51 =	vshll.u32 v3, $0x1  }
0xb4: {  	v3 =	vand.u32 $0x7, v3;
	v4 =	vand.u32 $0xFFFFFFF0, v51  }
0xb5: {  	v3 =	vor.u32 v3, v4  }
0xb6: {  	v4 =	vperm.xlane v3, v0;
	_ =	sdelay $0x1  }
0xb7: {  	v3 =	vperm.xlane v3, v2;
	v4 =	vadd.s32 v1, v4;
	_ =	sdelay $0x1  }
0xb8: {  	v3 =	vadd.s32 v1, v3;
	_ =	sdelay $0x1  }
0xb9: {  	s8 =	rddreg [dreg:$0xf]  }
0xba: {  	[tilespmem:s8], [sflag:$0x3] =	stream.indirect_vreg.gather [hbm4b:s1+s3], $0x80, v4, vm0, $0xb8;
	[tilespmem:$0x1A800] =	vst v63  }
0xbb: {  	s10 =	rddreg [dreg:$0x10];
	s8 =	simm.s32 @!p0 $0xA  }
0xbc: {  	[tilespmem:s10], [sflag:$0x3] =	stream.indirect_vreg.gather [hbm4b:s1+s3], $0x80, v3, vm0, $0xb8;
	[tilespmem:$0x1A800] =	vst v63  }
0xbd: {  	_ =	swait.ge @!p0 [sflag:s8], $0x4000  }
0xbe: {  	[sflag:s8] =	ssyncset.done @!p0 $0x0  }
0xbf: {  	[sflag:s8] =	ssyncadd.s32 @!p0 $0xFFFFC000  }
0xc0: {  	v3 =	vld [tilespmem:s6+$0x0];
	_ =	sdelay $0x4  }
0xc1: {  	v52 =	vshll.u32 v3, $0x1  }
0xc2: {  	v3 =	vand.u32 $0x7, v3;
	v4 =	vand.u32 $0xFFFFFFF0, v52  }
0xc3: {  	v3 =	vor.u32 v3, v4  }
0xc4: {  	v4 =	vperm.xlane v3, v0;
	_ =	sdelay $0x1  }
0xc5: {  	v3 =	vperm.xlane v3, v2;
	v4 =	vadd.s32 v1, v4;
	_ =	sdelay $0x1  }
0xc6: {  	v3 =	vadd.s32 v1, v3;
	_ =	sdelay $0x2  }
0xc7: {  	[tilespmem:s26], [sflag:$0x4] =	stream.indirect_vreg.gather [hbm4b:s1+s3], $0x80, v4, vm0, $0xb8;
	[tilespmem:$0x1A800] =	vst v63  }
0xc8: {  	s10 =	rddreg [dreg:$0x11]  }
0xc9: {  	[tilespmem:s10], [sflag:$0x4] =	stream.indirect_vreg.gather [hbm4b:s1+s3], $0x80, v3, vm0, $0xb8;
	[tilespmem:$0x1A800] =	vst v63  }
0xca: {  	v3 =	vld [tilespmem:s6+$0x10];
	_ =	sdelay $0x4  }
0xcb: {  	v53 =	vshll.u32 v3, $0x1  }
0xcc: {  	v3 =	vand.u32 $0x7, v3;
	v4 =	vand.u32 $0xFFFFFFF0, v53  }
0xcd: {  	v3 =	vor.u32 v3, v4  }
0xce: {  	v4 =	vperm.xlane v3, v0;
	_ =	sdelay $0x1  }
0xcf: {  	v3 =	vperm.xlane v3, v2;
	v4 =	vadd.s32 v1, v4;
	_ =	sdelay $0x1  }
0xd0: {  	v3 =	vadd.s32 v1, v3;
	_ =	sdelay $0x1  }
0xd1: {  	s8 =	rddreg [dreg:$0x12]  }
0xd2: {  	[tilespmem:s8], [sflag:$0x4] =	stream.indirect_vreg.gather [hbm4b:s1+s3], $0x80, v4, vm0, $0xb8;
	[tilespmem:$0x1A800] =	vst v63  }
0xd3: {  	s10 =	rddreg [dreg:$0x13]  }
0xd4: {  	[tilespmem:s10], [sflag:$0x4] =	stream.indirect_vreg.gather [hbm4b:s1+s3], $0x80, v3, vm0, $0xb8;
	[tilespmem:$0x1A800] =	vst v63  }
0xd5: {  	v3 =	vld [tilespmem:s6+$0x20];
	_ =	sdelay $0x4  }
0xd6: {  	v54 =	vshll.u32 v3, $0x1  }
0xd7: {  	v3 =	vand.u32 $0x7, v3;
	v4 =	vand.u32 $0xFFFFFFF0, v54  }
0xd8: {  	v3 =	vor.u32 v3, v4  }
0xd9: {  	v4 =	vperm.xlane v3, v0;
	_ =	sdelay $0x1  }
0xda: {  	v3 =	vperm.xlane v3, v2;
	v4 =	vadd.s32 v1, v4;
	_ =	sdelay $0x1  }
0xdb: {  	v3 =	vadd.s32 v1, v3;
	_ =	sdelay $0x1  }
0xdc: {  	s8 =	rddreg [dreg:$0x14]  }
0xdd: {  	[tilespmem:s8], [sflag:$0x4] =	stream.indirect_vreg.gather [hbm4b:s1+s3], $0x80, v4, vm0, $0xb8;
	[tilespmem:$0x1A800] =	vst v63  }
0xde: {  	s10 =	rddreg [dreg:$0x15]  }
0xdf: {  	[tilespmem:s10], [sflag:$0x4] =	stream.indirect_vreg.gather [hbm4b:s1+s3], $0x80, v3, vm0, $0xb8;
	[tilespmem:$0x1A800] =	vst v63  }
0xe0: {  	v3 =	vld [tilespmem:s6+$0x30];
	_ =	sdelay $0x4  }
0xe1: {  	v55 =	vshll.u32 v3, $0x1  }
0xe2: {  	v3 =	vand.u32 $0x7, v3;
	v4 =	vand.u32 $0xFFFFFFF0, v55  }
0xe3: {  	v3 =	vor.u32 v3, v4  }
0xe4: {  	v4 =	vperm.xlane v3, v0;
	_ =	sdelay $0x1  }
0xe5: {  	v3 =	vperm.xlane v3, v2;
	v4 =	vadd.s32 v1, v4;
	_ =	sdelay $0x1  }
0xe6: {  	v3 =	vadd.s32 v1, v3;
	_ =	sdelay $0x1  }
0xe7: {  	s8 =	rddreg [dreg:$0x16]  }
0xe8: {  	[tilespmem:s8], [sflag:$0x4] =	stream.indirect_vreg.gather [hbm4b:s1+s3], $0x80, v4, vm0, $0xb8;
	[tilespmem:$0x1A800] =	vst v63  }
0xe9: {  	s10 =	rddreg [dreg:$0x17];
	s8 =	simm.s32 @!p0 $0xB  }
0xea: {  	[tilespmem:s10], [sflag:$0x4] =	stream.indirect_vreg.gather [hbm4b:s1+s3], $0x80, v3, vm0, $0xb8;
	[tilespmem:$0x1A800] =	vst v63  }
0xeb: {  	_ =	swait.ge @!p0 [sflag:s8], $0x4000  }
0xec: {  	[sflag:s8] =	ssyncset.done @!p0 $0x0  }
0xed: {  	[sflag:s8] =	ssyncadd.s32 @!p0 $0xFFFFC000  }
0xee: {  	v3 =	vld [tilespmem:s6+$0x80];
	_ =	sdelay $0x4  }
0xef: {  	v56 =	vshll.u32 v3, $0x1  }
0xf0: {  	v3 =	vand.u32 $0x7, v3;
	v4 =	vand.u32 $0xFFFFFFF0, v56  }
0xf1: {  	v3 =	vor.u32 v3, v4  }
0xf2: {  	v4 =	vperm.xlane v3, v0;
	_ =	sdelay $0x1  }
0xf3: {  	v3 =	vperm.xlane v3, v2;
	v4 =	vadd.s32 v1, v4;
	_ =	sdelay $0x1  }
0xf4: {  	v3 =	vadd.s32 v1, v3;
	_ =	sdelay $0x2  }
0xf5: {  	[tilespmem:s28], [sflag:$0x5] =	stream.indirect_vreg.gather [hbm4b:s1+s3], $0x80, v4, vm0, $0xb8;
	[tilespmem:$0x1A800] =	vst v63  }
0xf6: {  	s10 =	rddreg [dreg:$0x18]  }
0xf7: {  	[tilespmem:s10], [sflag:$0x5] =	stream.indirect_vreg.gather [hbm4b:s1+s3], $0x80, v3, vm0, $0xb8;
	[tilespmem:$0x1A800] =	vst v63  }
0xf8: {  	v3 =	vld [tilespmem:s6+$0x90];
	_ =	sdelay $0x4  }
0xf9: {  	v57 =	vshll.u32 v3, $0x1  }
0xfa: {  	v3 =	vand.u32 $0x7, v3;
	v4 =	vand.u32 $0xFFFFFFF0, v57  }
0xfb: {  	v3 =	vor.u32 v3, v4  }
0xfc: {  	v4 =	vperm.xlane v3, v0;
	_ =	sdelay $0x1  }
0xfd: {  	v3 =	vperm.xlane v3, v2;
	v4 =	vadd.s32 v1, v4;
	_ =	sdelay $0x1  }
0xfe: {  	v3 =	vadd.s32 v1, v3;
	_ =	sdelay $0x1  }
0xff: {  	s8 =	rddreg [dreg:$0x19]  }
0x100: {  	[tilespmem:s8], [sflag:$0x5] =	stream.indirect_vreg.gather [hbm4b:s1+s3], $0x80, v4, vm0, $0xb8;
	[tilespmem:$0x1A800] =	vst v63  }
0x101: {  	s10 =	rddreg [dreg:$0x1a]  }
0x102: {  	[tilespmem:s10], [sflag:$0x5] =	stream.indirect_vreg.gather [hbm4b:s1+s3], $0x80, v3, vm0, $0xb8;
	[tilespmem:$0x1A800] =	vst v63  }
0x103: {  	v3 =	vld [tilespmem:s6+$0xA0];
	_ =	sdelay $0x4  }
0x104: {  	v58 =	vshll.u32 v3, $0x1  }
0x105: {  	v3 =	vand.u32 $0x7, v3;
	v4 =	vand.u32 $0xFFFFFFF0, v58  }
0x106: {  	v3 =	vor.u32 v3, v4  }
0x107: {  	v4 =	vperm.xlane v3, v0;
	_ =	sdelay $0x1  }
0x108: {  	v3 =	vperm.xlane v3, v2;
	v4 =	vadd.s32 v1, v4;
	_ =	sdelay $0x1  }
0x109: {  	v3 =	vadd.s32 v1, v3;
	_ =	sdelay $0x1  }
0x10a: {  	s8 =	rddreg [dreg:$0x1b]  }
0x10b: {  	[tilespmem:s8], [sflag:$0x5] =	stream.indirect_vreg.gather [hbm4b:s1+s3], $0x80, v4, vm0, $0xb8;
	[tilespmem:$0x1A800] =	vst v63  }
0x10c: {  	s10 =	rddreg [dreg:$0x1c]  }
0x10d: {  	[tilespmem:s10], [sflag:$0x5] =	stream.indirect_vreg.gather [hbm4b:s1+s3], $0x80, v3, vm0, $0xb8;
	[tilespmem:$0x1A800] =	vst v63  }
0x10e: {  	v3 =	vld [tilespmem:s6+$0xB0];
	_ =	sdelay $0x4  }
0x10f: {  	v59 =	vshll.u32 v3, $0x1  }
0x110: {  	v3 =	vand.u32 $0x7, v3;
	v4 =	vand.u32 $0xFFFFFFF0, v59  }
0x111: {  	v3 =	vor.u32 v3, v4  }
0x112: {  	v4 =	vperm.xlane v3, v0;
	_ =	sdelay $0x1  }
0x113: {  	v3 =	vperm.xlane v3, v2;
	v4 =	vadd.s32 v1, v4;
	_ =	sdelay $0x1  }
0x114: {  	v3 =	vadd.s32 v1, v3;
	_ =	sdelay $0x1  }
0x115: {  	s8 =	rddreg [dreg:$0x1d]  }
0x116: {  	[tilespmem:s8], [sflag:$0x5] =	stream.indirect_vreg.gather [hbm4b:s1+s3], $0x80, v4, vm0, $0xb8;
	[tilespmem:$0x1A800] =	vst v63  }
0x117: {  	s10 =	rddreg [dreg:$0x1e];
	s8 =	simm.s32 @!p0 $0xC  }
0x118: {  	[tilespmem:s10], [sflag:$0x5] =	stream.indirect_vreg.gather [hbm4b:s1+s3], $0x80, v3, vm0, $0xb8;
	[tilespmem:$0x1A800] =	vst v63  }
0x119: {  	_ =	swait.ge @!p0 [sflag:s8], $0x4000  }
0x11a: {  	[sflag:s8] =	ssyncset.done @!p0 $0x0  }
0x11b: {  	[sflag:s8] =	ssyncadd.s32 @!p0 $0xFFFFC000  }
0x11c: {  	v3 =	vld [tilespmem:s6+$0x100];
	_ =	sdelay $0x4  }
0x11d: {  	v60 =	vshll.u32 v3, $0x1  }
0x11e: {  	v3 =	vand.u32 $0x7, v3;
	v4 =	vand.u32 $0xFFFFFFF0, v60  }
0x11f: {  	v3 =	vor.u32 v3, v4  }
0x120: {  	v4 =	vperm.xlane v3, v0;
	_ =	sdelay $0x1  }
0x121: {  	v3 =	vperm.xlane v3, v2;
	v4 =	vadd.s32 v1, v4;
	_ =	sdelay $0x1  }
0x122: {  	v3 =	vadd.s32 v1, v3;
	_ =	sdelay $0x2  }
0x123: {  	[tilespmem:s29], [sflag:$0x6] =	stream.indirect_vreg.gather [hbm4b:s1+s3], $0x80, v4, vm0, $0xb8;
	[tilespmem:$0x1A800] =	vst v63  }
0x124: {  	s10 =	rddreg [dreg:$0x1f]  }
0x125: {  	[tilespmem:s10], [sflag:$0x6] =	stream.indirect_vreg.gather [hbm4b:s1+s3], $0x80, v3, vm0, $0xb8;
	[tilespmem:$0x1A800] =	vst v63  }
0x126: {  	v3 =	vld [tilespmem:s6+$0x110];
	_ =	sdelay $0x4  }
0x127: {  	v61 =	vshll.u32 v3, $0x1  }
0x128: {  	v3 =	vand.u32 $0x7, v3;
	v4 =	vand.u32 $0xFFFFFFF0, v61  }
0x129: {  	v3 =	vor.u32 v3, v4  }
0x12a: {  	v4 =	vperm.xlane v3, v0;
	_ =	sdelay $0x1  }
0x12b: {  	v3 =	vperm.xlane v3, v2;
	v4 =	vadd.s32 v1, v4;
	_ =	sdelay $0x1  }
0x12c: {  	s8 =	sld [smem:$0x7F8];
	v3 =	vadd.s32 v1, v3;
	_ =	sdelay $0x1  }
0x12d: {  	s10 =	sld [smem:$0x7F9]  }
0x12e: {  	[tilespmem:s8], [sflag:$0x6] =	stream.indirect_vreg.gather [hbm4b:s1+s3], $0x80, v4, vm0, $0xb8;
	[tilespmem:$0x1A800] =	vst v63  }
0x12f: {  	_ = 	snop  }
0x130: {  	[tilespmem:s10], [sflag:$0x6] =	stream.indirect_vreg.gather [hbm4b:s1+s3], $0x80, v3, vm0, $0xb8;
	[tilespmem:$0x1A800] =	vst v63  }
0x131: {  	v3 =	vld [tilespmem:s6+$0x120];
	_ =	sdelay $0x4  }
0x132: {  	v62 =	vshll.u32 v3, $0x1  }
0x133: {  	v3 =	vand.u32 $0x7, v3;
	v4 =	vand.u32 $0xFFFFFFF0, v62  }
0x134: {  	v3 =	vor.u32 v3, v4  }
0x135: {  	v4 =	vperm.xlane v3, v0;
	_ =	sdelay $0x1  }
0x136: {  	v3 =	vperm.xlane v3, v2;
	v4 =	vadd.s32 v1, v4;
	_ =	sdelay $0x1  }
0x137: {  	s8 =	sld [smem:$0x7FA];
	v3 =	vadd.s32 v1, v3;
	_ =	sdelay $0x1  }
0x138: {  	s10 =	sld [smem:$0x7FB]  }
0x139: {  	[tilespmem:s8], [sflag:$0x6] =	stream.indirect_vreg.gather [hbm4b:s1+s3], $0x80, v4, vm0, $0xb8;
	[tilespmem:$0x1A800] =	vst v63  }
0x13a: {  	_ = 	snop  }
0x13b: {  	[tilespmem:s10], [sflag:$0x6] =	stream.indirect_vreg.gather [hbm4b:s1+s3], $0x80, v3, vm0, $0xb8;
	[tilespmem:$0x1A800] =	vst v63  }
0x13c: {  	v3 =	vld [tilespmem:s6+$0x130];
	_ =	sdelay $0x4  }
0x13d: {  	v63 =	vshll.u32 v3, $0x1  }
0x13e: {  	v3 =	vand.u32 $0x7, v3;
	v4 =	vand.u32 $0xFFFFFFF0, v63  }
0x13f: {  	v3 =	vor.u32 v3, v4  }
0x140: {  	v4 =	vperm.xlane v3, v0;
	_ =	sdelay $0x1  }
0x141: {  	v3 =	vperm.xlane v3, v2;
	v4 =	vadd.s32 v1, v4;
	_ =	sdelay $0x1  }
0x142: {  	s8 =	sld [smem:$0x7FC];
	v3 =	vadd.s32 v1, v3;
	_ =	sdelay $0x1  }
0x143: {  	s10 =	sld [smem:$0x7FD]  }
0x144: {  	[tilespmem:s8], [sflag:$0x6] =	stream.indirect_vreg.gather [hbm4b:s1+s3], $0x80, v4, vm0, $0xb8;
	[tilespmem:$0x1A800] =	vst v63  }
0x145: {  	_ = 	snop  }
0x146: {  	[tilespmem:s10], [sflag:$0x6] =	stream.indirect_vreg.gather [hbm4b:s1+s3], $0x80, v3, vm0, $0xb8;
	[tilespmem:$0x1A800] =	vst v63  }
0x147: {  	_ =	swait.ge [sflag:s30], $0x4000  }
0x148: {  	s8 =	rddreg [dreg:$0x4];
	[sflag:s30] =	ssyncset.done $0x0  }
0x149: {  	[sflag:s30] =	ssyncadd.s32 $0xFFFFC000;
	s8 =	sadd.s32 s7, s8  }
0x14a: {  	[hbm4b:s8+s3] =	stream.linear.scatter [tilespmem:s9], [sflag:$0x7], $0x4000, $0x38;
	[tilespmem:$0x1A800] =	vst v63  }
0x14b: {  	_ =	swait.ge [sflag:s31], $0x4000  }
0x14c: {  	s8 =	rddreg [dreg:$0x8];
	[sflag:s31] =	ssyncset.done $0x0  }
0x14d: {  	[sflag:s31] =	ssyncadd.s32 $0xFFFFC000;
	s8 =	sadd.s32 s7, s8  }
0x14e: {  	[hbm4b:s8+s3] =	stream.linear.scatter [tilespmem:s17], [sflag:$0x8], $0x4000, $0x38;
	[tilespmem:$0x1A800] =	vst v63  }
0x14f: {  	_ =	swait.ge [sflag:s0], $0x4000  }
0x150: {  	s8 =	rddreg [dreg:$0x5];
	[sflag:s0] =	ssyncset.done $0x0  }
0x151: {  	[sflag:s0] =	ssyncadd.s32 $0xFFFFC000;
	s8 =	sadd.s32 s7, s8  }
0x152: {  	[hbm4b:s8+s3] =	stream.linear.scatter [tilespmem:s25], [sflag:$0x9], $0x4000, $0x38;
	[tilespmem:$0x1A800] =	vst v63  }
0x153: {  	_ =	swait.ge [sflag:s2], $0x4000  }
0x154: {  	s8 =	rddreg [dreg:$0x6];
	[sflag:s2] =	ssyncset.done $0x0  }
0x155: {  	[sflag:s2] =	ssyncadd.s32 $0xFFFFC000;
	s8 =	sadd.s32 s7, s8  }
0x156: {  	[hbm4b:s8+s3] =	stream.linear.scatter [tilespmem:s26], [sflag:$0xA], $0x4000, $0x38;
	[tilespmem:$0x1A800] =	vst v63  }
0x157: {  	_ =	swait.ge [sflag:s4], $0x4000  }
0x158: {  	s8 =	rddreg [dreg:$0x7];
	[sflag:s4] =	ssyncset.done $0x0  }
0x159: {  	[sflag:s4] =	ssyncadd.s32 $0xFFFFC000;
	s8 =	sadd.s32 s7, s8  }
0x15a: {  	[hbm4b:s8+s3] =	stream.linear.scatter [tilespmem:s28], [sflag:$0xB], $0x4000, $0x38;
	[tilespmem:$0x1A800] =	vst v63  }
0x15b: {  	_ =	swait.ge [sflag:s5], $0x4000  }
0x15c: {  	s8 =	rddreg [dreg:$0x9]  }
0x15d: {  	s8 =	sadd.s32 s7, s8;
	s7 =	sadd.s32 $0x3000, s7  }
0x15e: {  	p0 =	sne.s32 s7, $0x27000  }
.Ltmp0:
0x15f: {  	_ = 	snop;
	(pc) =	sbr.rel @p0 .LBB2_2-.Ltmp0, $4  }
0x160: {  	_ = 	snop  }
0x161: {  	[sflag:s5] =	ssyncset.done $0x0  }
0x162: {  	s6 =	sadd.s32 $0x300, s6;
	s10 =	simm.s32 $0x3000;
	[sflag:s5] =	ssyncadd.s32 $0xFFFFC000  }
0x163: {  	[hbm4b:s8+s3] =	stream.linear.scatter [tilespmem:s29], [sflag:$0xC], $0x4000, $0x38;
	[tilespmem:$0x1A800] =	vst v63  }
0x164: {  	s7 =	simm.s32 $0x7  }
0x165: {  	_ =	swait.ge [sflag:s7], $0x4000  }
0x166: {  	[sflag:s7] =	ssyncset.done $0x0  }
0x167: {  	[sflag:s7] =	ssyncadd.s32 $0xFFFFC000  }
0x168: {  	v3 =	vld [tilespmem:$0x2700];
	_ =	sdelay $0x4  }
0x169: {  	v4 =	vshll.u32 v3, $0x1  }
0x16a: {  	v3 =	vand.u32 $0x7, v3;
	v4 =	vand.u32 $0xFFFFFFF0, v4  }
0x16b: {  	v3 =	vor.u32 v3, v4  }
0x16c: {  	v4 =	vperm.xlane v3, v0;
	_ =	sdelay $0x1  }
0x16d: {  	v3 =	vperm.xlane v3, v2;
	v4 =	vadd.s32 v1, v4;
	_ =	sdelay $0x1  }
0x16e: {  	v3 =	vadd.s32 v1, v3;
	_ =	sdelay $0x2  }
0x16f: {  	[tilespmem:s9], [sflag:$0x1] =	stream.indirect_vreg.gather [hbm4b:s1+s3], $0x80, v4, vm0, $0xb8;
	[tilespmem:$0x1A800] =	vst v63  }
0x170: {  	_ = 	snop  }
0x171: {  	[tilespmem:s10], [sflag:$0x1] =	stream.indirect_vreg.gather [hbm4b:s1+s3], $0x80, v3, vm0, $0xb8;
	[tilespmem:$0x1A800] =	vst v63  }
0x172: {  	v3 =	vld [tilespmem:$0x2710];
	_ =	sdelay $0x4  }
0x173: {  	v57 =	vshll.u32 v3, $0x1  }
0x174: {  	v3 =	vand.u32 $0x7, v3;
	v4 =	vand.u32 $0xFFFFFFF0, v57  }
0x175: {  	v3 =	vor.u32 v3, v4  }
0x176: {  	v4 =	vperm.xlane v3, v0;
	_ =	sdelay $0x1  }
0x177: {  	v3 =	vperm.xlane v3, v2;
	v4 =	vadd.s32 v1, v4;
	_ =	sdelay $0x1  }
0x178: {  	v3 =	vadd.s32 v1, v3;
	_ =	sdelay $0x2  }
0x179: {  	[tilespmem:s11], [sflag:$0x1] =	stream.indirect_vreg.gather [hbm4b:s1+s3], $0x80, v4, vm0, $0xb8;
	[tilespmem:$0x1A800] =	vst v63  }
0x17a: {  	_ = 	snop  }
0x17b: {  	[tilespmem:s12], [sflag:$0x1] =	stream.indirect_vreg.gather [hbm4b:s1+s3], $0x80, v3, vm0, $0xb8;
	[tilespmem:$0x1A800] =	vst v63  }
0x17c: {  	v3 =	vld [tilespmem:$0x2720];
	_ =	sdelay $0x4  }
0x17d: {  	v58 =	vshll.u32 v3, $0x1  }
0x17e: {  	v3 =	vand.u32 $0x7, v3;
	v4 =	vand.u32 $0xFFFFFFF0, v58  }
0x17f: {  	v3 =	vor.u32 v3, v4  }
0x180: {  	v4 =	vperm.xlane v3, v0;
	_ =	sdelay $0x1  }
0x181: {  	v3 =	vperm.xlane v3, v2;
	v4 =	vadd.s32 v1, v4;
	_ =	sdelay $0x1  }
0x182: {  	v3 =	vadd.s32 v1, v3;
	_ =	sdelay $0x2  }
0x183: {  	[tilespmem:s13], [sflag:$0x1] =	stream.indirect_vreg.gather [hbm4b:s1+s3], $0x80, v4, vm0, $0xb8;
	[tilespmem:$0x1A800] =	vst v63  }
0x184: {  	_ = 	snop  }
0x185: {  	[tilespmem:s14], [sflag:$0x1] =	stream.indirect_vreg.gather [hbm4b:s1+s3], $0x80, v3, vm0, $0xb8;
	[tilespmem:$0x1A800] =	vst v63  }
0x186: {  	v3 =	vld [tilespmem:$0x2730];
	_ =	sdelay $0x4  }
0x187: {  	v59 =	vshll.u32 v3, $0x1  }
0x188: {  	v3 =	vand.u32 $0x7, v3;
	v4 =	vand.u32 $0xFFFFFFF0, v59  }
0x189: {  	v3 =	vor.u32 v3, v4  }
0x18a: {  	v4 =	vperm.xlane v3, v0;
	_ =	sdelay $0x1  }
0x18b: {  	v3 =	vperm.xlane v3, v2;
	v4 =	vadd.s32 v1, v4;
	_ =	sdelay $0x1  }
0x18c: {  	v3 =	vadd.s32 v1, v3;
	_ =	sdelay $0x2  }
0x18d: {  	[tilespmem:s15], [sflag:$0x1] =	stream.indirect_vreg.gather [hbm4b:s1+s3], $0x80, v4, vm0, $0xb8;
	[tilespmem:$0x1A800] =	vst v63  }
0x18e: {  	s8 =	simm.s32 $0x8  }
0x18f: {  	[tilespmem:s16], [sflag:$0x1] =	stream.indirect_vreg.gather [hbm4b:s1+s3], $0x80, v3, vm0, $0xb8;
	[tilespmem:$0x1A800] =	vst v63  }
0x190: {  	_ =	swait.ge [sflag:s8], $0x4000  }
0x191: {  	[sflag:s8] =	ssyncset.done $0x0  }
0x192: {  	[sflag:s8] =	ssyncadd.s32 $0xFFFFC000  }
0x193: {  	v3 =	vld [tilespmem:$0x2780];
	_ =	sdelay $0x4  }
0x194: {  	v60 =	vshll.u32 v3, $0x1  }
0x195: {  	v3 =	vand.u32 $0x7, v3;
	v4 =	vand.u32 $0xFFFFFFF0, v60  }
0x196: {  	v3 =	vor.u32 v3, v4  }
0x197: {  	v4 =	vperm.xlane v3, v0;
	_ =	sdelay $0x1  }
0x198: {  	v3 =	vperm.xlane v3, v2;
	v4 =	vadd.s32 v1, v4;
	_ =	sdelay $0x1  }
0x199: {  	v3 =	vadd.s32 v1, v3;
	_ =	sdelay $0x2  }
0x19a: {  	[tilespmem:s17], [sflag:$0x2] =	stream.indirect_vreg.gather [hbm4b:s1+s3], $0x80, v4, vm0, $0xb8;
	[tilespmem:$0x1A800] =	vst v63  }
0x19b: {  	_ = 	snop  }
0x19c: {  	[tilespmem:s18], [sflag:$0x2] =	stream.indirect_vreg.gather [hbm4b:s1+s3], $0x80, v3, vm0, $0xb8;
	[tilespmem:$0x1A800] =	vst v63  }
0x19d: {  	v3 =	vld [tilespmem:$0x2790];
	_ =	sdelay $0x4  }
0x19e: {  	v61 =	vshll.u32 v3, $0x1  }
0x19f: {  	v3 =	vand.u32 $0x7, v3;
	v4 =	vand.u32 $0xFFFFFFF0, v61  }
0x1a0: {  	v3 =	vor.u32 v3, v4  }
0x1a1: {  	v4 =	vperm.xlane v3, v0;
	_ =	sdelay $0x1  }
0x1a2: {  	v3 =	vperm.xlane v3, v2;
	v4 =	vadd.s32 v1, v4;
	_ =	sdelay $0x1  }
0x1a3: {  	v3 =	vadd.s32 v1, v3;
	_ =	sdelay $0x2  }
0x1a4: {  	[tilespmem:s19], [sflag:$0x2] =	stream.indirect_vreg.gather [hbm4b:s1+s3], $0x80, v4, vm0, $0xb8;
	[tilespmem:$0x1A800] =	vst v63  }
0x1a5: {  	_ = 	snop  }
0x1a6: {  	[tilespmem:s20], [sflag:$0x2] =	stream.indirect_vreg.gather [hbm4b:s1+s3], $0x80, v3, vm0, $0xb8;
	[tilespmem:$0x1A800] =	vst v63  }
0x1a7: {  	v3 =	vld [tilespmem:$0x27A0];
	_ =	sdelay $0x4  }
0x1a8: {  	v62 =	vshll.u32 v3, $0x1  }
0x1a9: {  	v3 =	vand.u32 $0x7, v3;
	v4 =	vand.u32 $0xFFFFFFF0, v62  }
0x1aa: {  	v3 =	vor.u32 v3, v4  }
0x1ab: {  	v4 =	vperm.xlane v3, v0;
	_ =	sdelay $0x1  }
0x1ac: {  	v3 =	vperm.xlane v3, v2;
	v4 =	vadd.s32 v1, v4;
	_ =	sdelay $0x1  }
0x1ad: {  	v3 =	vadd.s32 v1, v3;
	_ =	sdelay $0x2  }
0x1ae: {  	[tilespmem:s21], [sflag:$0x2] =	stream.indirect_vreg.gather [hbm4b:s1+s3], $0x80, v4, vm0, $0xb8;
	[tilespmem:$0x1A800] =	vst v63  }
0x1af: {  	_ = 	snop  }
0x1b0: {  	[tilespmem:s22], [sflag:$0x2] =	stream.indirect_vreg.gather [hbm4b:s1+s3], $0x80, v3, vm0, $0xb8;
	[tilespmem:$0x1A800] =	vst v63  }
0x1b1: {  	v3 =	vld [tilespmem:$0x27B0];
	_ =	sdelay $0x4  }
0x1b2: {  	v63 =	vshll.u32 v3, $0x1  }
0x1b3: {  	v3 =	vand.u32 $0x7, v3;
	v4 =	vand.u32 $0xFFFFFFF0, v63  }
0x1b4: {  	v3 =	vor.u32 v3, v4  }
0x1b5: {  	v4 =	vperm.xlane v3, v0;
	_ =	sdelay $0x1  }
0x1b6: {  	v3 =	vperm.xlane v3, v2;
	v4 =	vadd.s32 v1, v4;
	_ =	sdelay $0x1  }
0x1b7: {  	v3 =	vadd.s32 v1, v3;
	_ =	sdelay $0x2  }
0x1b8: {  	[tilespmem:s23], [sflag:$0x2] =	stream.indirect_vreg.gather [hbm4b:s1+s3], $0x80, v4, vm0, $0xb8;
	[tilespmem:$0x1A800] =	vst v63  }
0x1b9: {  	_ = 	snop  }
0x1ba: {  	[tilespmem:s24], [sflag:$0x2] =	stream.indirect_vreg.gather [hbm4b:s1+s3], $0x80, v3, vm0, $0xb8;
	[tilespmem:$0x1A800] =	vst v63  }
0x1bb: {  	_ =	swait.ge [sflag:s30], $0x4000  }
0x1bc: {  	s6 =	sld [smem:$0x7F5]  }
0x1bd: {  	[sflag:s30] =	ssyncset.done $0x0  }
0x1be: {  	[sflag:s30] =	ssyncadd.s32 $0xFFFFC000  }
0x1bf: {  	[hbm4b:s6+s3] =	stream.linear.scatter [tilespmem:s9], [sflag:$0x7], $0x4000, $0x38;
	[tilespmem:$0x1A800] =	vst v63  }
0x1c0: {  	_ =	swait.ge [sflag:s31], $0x4000  }
0x1c1: {  	s6 =	sld [smem:$0x7F6]  }
0x1c2: {  	[sflag:s31] =	ssyncset.done $0x0  }
0x1c3: {  	[sflag:s31] =	ssyncadd.s32 $0xFFFFC000  }
0x1c4: {  	[hbm4b:s6+s3] =	stream.linear.scatter [tilespmem:s17], [sflag:$0x8], $0x4000, $0x38;
	[tilespmem:$0x1A800] =	vst v63  }
0x1c5: {  	_ =	swait.ge [sflag:s7], $0x4000  }
0x1c6: {  	[sflag:s7] =	ssyncset.done $0x0  }
0x1c7: {  	[sflag:s7] =	ssyncadd.s32 $0xFFFFC000  }
0x1c8: {  	_ =	swait.ge [sflag:s8], $0x4000  }
0x1c9: {  	[sflag:s8] =	ssyncset.done $0x0  }
0x1ca: {  	[sflag:s8] =	ssyncadd.s32 $0xFFFFC000;
	s8 =	simm.s32 $0x9  }
0x1cb: {  	_ =	swait.ge [sflag:s8], $0x4000  }
0x1cc: {  	[sflag:s8] =	ssyncset.done $0x0  }
0x1cd: {  	s7 =	simm.s32 $0xA;
	[sflag:s8] =	ssyncadd.s32 $0xFFFFC000  }
0x1ce: {  	_ =	swait.ge [sflag:s7], $0x4000  }
0x1cf: {  	[sflag:s7] =	ssyncset.done $0x0  }
0x1d0: {  	s8 =	simm.s32 $0xB;
	[sflag:s7] =	ssyncadd.s32 $0xFFFFC000  }
0x1d1: {  	_ =	swait.ge [sflag:s8], $0x4000  }
0x1d2: {  	[sflag:s8] =	ssyncset.done $0x0  }
0x1d3: {  	s7 =	simm.s32 $0xC;
	[sflag:s8] =	ssyncadd.s32 $0xFFFFC000  }
0x1d4: {  	_ =	swait.ge [sflag:s7], $0x4000  }
0x1d5: {  	s6 =	sld [smem:$0x7F3];
	_ =	sdelay $0x2  }
0x1d6: {  	s8 =	sadd.s32 $0x1, s6;
	s6 =	sld [smem:$0x7F7];
	_ =	sdelay $0x2  }
0x1d7: {  	p0 =	sne.s32 s8, s6  }
.Ltmp1:
0x1d8: {  	_ = 	snop;
	(pc) =	sbr.rel @p0 .LBB2_1-.Ltmp1, $3  }
0x1d9: {  	_ =	sdelay $0x1  }
0x1da: {  	[sflag:s7] =	ssyncset.done $0x0  }
0x1db: {  	[sflag:s7] =	ssyncadd.s32 $0xFFFFC000  }
0x1dc: {  	_ =	sfence.sel $0x180000  }
0x1dd: {  	[bflag:$0x0] =	sbarrier.arrive $0xFFFF  }
0x1de: {  	_ =	strace $0x90000047  }
0x1df: {  	s0 =	stileid.u32;
	[bflag:$0x2] =	sbarrier.arrive $0xFFFF  }
0x1e0: {  	p0 =	sne.s32 s0, $0x0;
	s0 =	rddreg [dreg:$0x3]  }
0x1e1: {  	s0 =	sadd.s32 @!p0 $0x100000, s0  }
0x1e2: {  	[sflag:s0] =	ssyncadd.tile.s32 @!p0 $0x1;
	_ =	shalt  }
.Lfunc_end2:
_tile_overlayer_lowered:
.L_overlay_start_2:
0x1e3: {  	(tag) =	ssettag $0x2  }
0x1e4: {  	s0 =	rddreg [dreg:$0x0];
	s2 =	stileid.u32  }
0x1e5: {  	s1 =	rddreg [dreg:$0x1];
	p0 =	sne.s32 s2, $0x0  }
0x1e6: {  	s3 =	rddreg [dreg:$0x2];
	[bflag:$0x3] =	sbarrier.arrive $0xFFFF;
	s2 =	simm.s32 @!p0 $0x1C0D  }
0x1e7: {  	[timem:s3], [sflag:s2] =	dma.local @!p0 [hbm:s0], s1  }
0x1e8: {  	s0 =	simm.s32 @!p0 $0xD  }
0x1e9: {  	_ =	swait.ge @!p0 [sflag:s0], s1  }
0x1ea: {  	s1 =	ssub.s32 @!p0 $0x0, s1;
	[sflag:s0] =	ssyncset.done @!p0 $0x0  }
0x1eb: {  	[sflag:s0] =	ssyncadd.s32 @!p0 s1  }
0x1ec: {  	[bflag:$0x3] =	sbarrier.arrive $0xFFFF  }
0x1ed: {  	_ =	shalt  }

</sc_bundles>
